<compile_context>
chip_gen: v7x
topology: tpu7x:2x2x1
jax: 0.10.2.dev20260603
libtpu: 0.0.44.dev20260713+nightly
codegen_flags: <defaults>
</compile_context>

<pallas_src>
import jax
import jax.numpy as jnp
from jax import lax
from jax.experimental import pallas as pl
from jax.experimental.pallas import tpu as pltpu
from jax.experimental.pallas import tpu_sc as plsc

_N = 32768
_G = 1024
_NC = 2
_NW = 32
_L = 16
_GPW = _G // _NW
_CH = 1024
_NCHT = _N // _CH
_NSPEC = 3
_NEG_INF = float("-inf")
_BIGS = 1 << 30


def _take(a, idx):
    return a.at[idx].get(mode="promise_in_bounds")


def _popcnt(mask):
    return plsc.all_reduce_population_count(mask)[0]


def _seg_merge_scan(lane, gv, vv, iv, sv):
    for d in (1, 2, 4, 8):
        src = jnp.maximum(lane - d, 0)
        ok = (_take(gv, src) == gv) & (lane >= d)
        vs = _take(vv, src)
        is_ = _take(iv, src)
        ss = _take(sv, src)
        take_cur = vv > vs
        vv = jnp.where(ok, jnp.where(take_cur, vv, vs), vv)
        iv = jnp.where(ok, jnp.where(take_cur, iv, is_), iv)
        sv = jnp.where(ok, jnp.minimum(sv, ss), sv)
    return vv, iv, sv


def _sc_body(x_hbm, g_hbm, out_hbm, xv, gv, idxv, dirv, ov, semd, semg, semx):
    cid = lax.axis_index("c")
    sid = lax.axis_index("s")
    wid = sid * _NC + cid
    base = wid * _GPW
    lane = lax.iota(jnp.int32, _L)

    spec0 = jnp.clip(wid - 1, 0, _NCHT - _NSPEC)
    for c in range(_NSPEC):
        src = (spec0 + c) * _CH
        dst = c * _CH
        pltpu.async_copy(g_hbm.at[pl.ds(src, _CH)], gv.at[pl.ds(dst, _CH)], semg)
        pltpu.async_copy(x_hbm.at[pl.ds(src, _CH)], xv.at[pl.ds(dst, _CH)], semx)

    for k in range(_NCHT // _L):
        idxv[pl.ds(k * _L, _L)] = (lane + k * _L) * _CH
    pltpu.async_copy(g_hbm.at[idxv], dirv, semd).wait()

    cnt = jnp.int32(0)
    cnt2 = jnp.int32(0)
    for k in range(_NCHT // _L):
        dk = dirv[pl.ds(k * _L, _L)]
        cnt = cnt + _popcnt(dk < base)
        cnt2 = cnt2 + _popcnt(dk < base + _GPW)
    chunk_a = jnp.maximum(cnt - 1, 0)
    nch = jnp.where(cnt2 > 0, cnt2 - chunk_a, 0)
    covered = (chunk_a >= spec0) & (chunk_a + nch <= spec0 + _NSPEC)

    for t in range(_GPW // _L):
        ov[pl.ds(t * _L, _L)] = jnp.full((_L,), -1, jnp.int32)

    for c in range(_NSPEC):
        src = (spec0 + c) * _CH
        dst = c * _CH
        pltpu.make_async_copy(
            g_hbm.at[pl.ds(src, _CH)], gv.at[pl.ds(dst, _CH)], semg
        ).wait()
        pltpu.make_async_copy(
            x_hbm.at[pl.ds(src, _CH)], xv.at[pl.ds(dst, _CH)], semx
        ).wait()

    def restage(_):
        def issue(c, carry):
            src = (chunk_a + c) * _CH
            dst = c * _CH
            pltpu.async_copy(
                g_hbm.at[pl.ds(src, _CH)], gv.at[pl.ds(dst, _CH)], semg
            )
            pltpu.async_copy(
                x_hbm.at[pl.ds(src, _CH)], xv.at[pl.ds(dst, _CH)], semx
            )
            return carry

        lax.fori_loop(0, nch, issue, jnp.int32(0))

        def drain(c, carry):
            src = (chunk_a + c) * _CH
            dst = c * _CH
            pltpu.make_async_copy(
                g_hbm.at[pl.ds(src, _CH)], gv.at[pl.ds(dst, _CH)], semg
            ).wait()
            pltpu.make_async_copy(
                x_hbm.at[pl.ds(src, _CH)], xv.at[pl.ds(dst, _CH)], semx
            ).wait()
            return carry

        lax.fori_loop(0, nch, drain, jnp.int32(0))
        return jnp.int32(0)

    lax.cond(covered, lambda _: jnp.int32(0), restage, jnp.int32(0))
    w0 = jnp.where(covered, spec0, chunk_a)

    def refine(b_chunk, target):
        b_off = b_chunk * _CH

        def stp(_, st):
            lo_p, hi_p = st
            mid = (lo_p + hi_p) // 2
            v = gv[pl.ds(b_off + mid * _L, _L)][0]
            lo2 = jnp.where(v < target, mid + 1, lo_p)
            hi2 = jnp.where(v < target, hi_p, mid)
            return lo2, hi2

        mp, _ = lax.fori_loop(0, 6, stp, (jnp.int32(0), jnp.int32(_CH // _L)))
        wp = jnp.maximum(mp - 1, 0)
        w = gv[pl.ds(b_off + wp * _L, _L)]
        return b_off + wp * _L + _popcnt(w < target)

    lo_rel = refine(chunk_a - w0, base)
    hi_rel = refine(chunk_a + jnp.maximum(nch, 1) - 1 - w0, base + _GPW)
    rng = jnp.maximum(hi_rel - lo_rel, 0)

    tsteps = jnp.where(nch > 0, (rng + _L - 1) // _L, 0)
    pidx0 = lo_rel + lane * tsteps
    gidx0 = w0 * _CH + pidx0
    smax = jnp.maximum(hi_rel - 1, 0)

    def step(t, st):
        curg, curmask, bestv, besti, starti, fg, fv, fi, fs, hasfirst = st
        pidx_raw = pidx0 + t
        pidx = jnp.minimum(pidx_raw, smax)
        gg = plsc.load_gather(gv, [pidx])
        v = plsc.load_gather(xv, [pidx])
        gg = jnp.where(pidx_raw <= smax, gg, -1)
        idx = gidx0 + t
        owned = (gg >= base) & (gg < base + _GPW)
        same = curmask & (gg == curg)
        emit = curmask & jnp.logical_not(gg == curg)
        take_first = emit & jnp.logical_not(hasfirst)
        fg = jnp.where(take_first, curg, fg)
        fv = jnp.where(take_first, bestv, fv)
        fi = jnp.where(take_first, besti, fi)
        fs = jnp.where(take_first, starti, fs)
        scat = emit & hasfirst
        plsc.store_scatter(
            ov,
            [jnp.clip(curg - base, 0, _GPW - 1)],
            besti - starti,
            mask=scat,
        )
        hasfirst = hasfirst | emit
        newstart = owned & jnp.logical_not(same)
        improve = same & (v > bestv)
        bestv = jnp.where(newstart, v, jnp.where(improve, v, bestv))
        besti = jnp.where(newstart, idx, jnp.where(improve, idx, besti))
        starti = jnp.where(newstart, idx, starti)
        curg = jnp.where(owned, gg, -1)
        return (curg, owned, bestv, besti, starti, fg, fv, fi, fs, hasfirst)

    neg1 = jnp.full((_L,), -1, jnp.int32)
    ninf = jnp.full((_L,), _NEG_INF, jnp.float32)
    zero = jnp.full((_L,), 0, jnp.int32)
    false = lane < 0
    init = (neg1, false, ninf, neg1, zero, neg1, ninf, neg1, zero, false)
    (curg, curmask, bestv, besti, starti, fg, fv, fi, fs, hasfirst) = (
        lax.fori_loop(0, tsteps, step, init)
    )

    fgx = jnp.where(hasfirst, fg, jnp.where(curmask, curg, -1))
    fvx = jnp.where(hasfirst, fv, _NEG_INF)
    fix = jnp.where(hasfirst, fi, -1)
    fsx = jnp.where(hasfirst, fs, _BIGS)
    cgx = jnp.where(curmask, curg, jnp.where(hasfirst, fg, -1))
    cvx = jnp.where(curmask, bestv, _NEG_INF)
    cix = jnp.where(curmask, besti, -1)
    csx = jnp.where(curmask, starti, _BIGS)

    even = lane % 2 == 0
    carry_g = jnp.int32(-1)
    carry_v = jnp.float32(_NEG_INF)
    carry_i = jnp.int32(-1)
    carry_s = _BIGS
    for half in range(2):
        srch = lane // 2 + half * 8
        gr = jnp.where(even, _take(fgx, srch), _take(cgx, srch))
        vr = jnp.where(even, _take(fvx, srch), _take(cvx, srch))
        ir = jnp.where(even, _take(fix, srch), _take(cix, srch))
        sr = jnp.where(even, _take(fsx, srch), _take(csx, srch))
        vr2, ir2, sr2 = _seg_merge_scan(lane, gr, vr, ir, sr)
        cm = (gr == carry_g) & (gr >= 0)
        tc = vr2 > carry_v
        vr2 = jnp.where(cm, jnp.where(tc, vr2, carry_v), vr2)
        ir2 = jnp.where(cm, jnp.where(tc, ir2, carry_i), ir2)
        sr2 = jnp.where(cm, jnp.minimum(sr2, carry_s), sr2)
        gnext = _take(gr, jnp.minimum(lane + 1, _L - 1))
        runlast = (gnext != gr) | (lane == _L - 1)
        m = runlast & (gr >= 0)
        plsc.store_scatter(
            ov, [jnp.clip(gr - base, 0, _GPW - 1)], ir2 - sr2, mask=m
        )
        carry_g = gr[_L - 1]
        carry_v = vr2[_L - 1]
        carry_i = ir2[_L - 1]
        carry_s = sr2[_L - 1]

    pltpu.sync_copy(ov, out_hbm.at[pl.ds(base, _GPW)])


@jax.jit
def _sc_argmax(x, group_index):
    mesh = plsc.VectorSubcoreMesh(core_axis_name="c", subcore_axis_name="s")
    f = pl.kernel(
        _sc_body,
        out_type=jax.ShapeDtypeStruct((_G,), jnp.int32),
        mesh=mesh,
        compiler_params=pltpu.CompilerParams(needs_layout_passes=False),
        scratch_types=[
            pltpu.VMEM((_N,), jnp.float32),
            pltpu.VMEM((_N,), jnp.int32),
            pltpu.VMEM((_NCHT,), jnp.int32),
            pltpu.VMEM((_NCHT,), jnp.int32),
            pltpu.VMEM((_GPW,), jnp.int32),
            pltpu.SemaphoreType.DMA,
            pltpu.SemaphoreType.DMA,
            pltpu.SemaphoreType.DMA,
        ],
    )
    return f(x, group_index.astype(jnp.int32))


def kernel(x, group_index):
    return _sc_argmax(x, group_index)

# --- scband reference (transcript-rebuilt; emitter-appended) ---
"""Pipeline reference for scband-flexible-argmax-23467701305396 (READ-ONLY COPY).

The authoritative reference and input builder live on the scoring server;
editing this copy changes nothing except your own understanding.
"""

import jax, jax.numpy as jnp
import numpy as np

N = 32768
G = 1024


def setup_inputs(seed: int = 0) -> dict:
    key = jax.random.key(seed)
    k1, k2 = jax.random.split(key)
    x = jax.random.normal(k1, (N,), dtype=jnp.float32)
    group_index = jnp.sort(jax.random.randint(k2, (N,), 0, G))
    # guarantee n_groups == G (torch module computes n_groups = max+1 dynamically)
    group_index = group_index.at[-1].set(G - 1)
    return {"x": x, "group_index": group_index}


def reference(x, group_index):
    # Faithful translation of FlexibleArgmax.forward with defaults
    # (return_argmax_indices=False, keepdim=True)
    x = jnp.squeeze(x)
    n_items = x.shape[0]
    n_groups = G
    x_repeated = jnp.broadcast_to(x[:, None], (n_items, n_groups))
    one_hot = jax.nn.one_hot(group_index, n_groups, dtype=jnp.int32)
    cumsum_group_index = jnp.cumsum(one_hot, axis=0) - 1
    dmin = jnp.finfo(x.dtype).min
    dummy = (1 - one_hot).astype(x.dtype) * dmin + one_hot.astype(x.dtype) * x_repeated
    argmax_index = jnp.argmax(dummy, axis=0)  # [n_groups], row index of per-group max
    # torch.gather(cumsum_group_index, 0, argmax_index): out[j] = cumsum[argmax_index[j], j]
    argmax_values = cumsum_group_index[argmax_index, jnp.arange(n_groups)]
    return jnp.squeeze(argmax_values)

if __name__ == "__main__":
    import jax
    _d = setup_inputs()
    print(jax.jit(kernel)(*tuple(_d.values())))

</pallas_src>

<mosaic_0001>
#map = affine_map<(d0, d1) -> (0)>
module attributes {stable_mosaic.version = 14 : i64} {
  func.func @_sc_body(%arg0: i32, %arg1: i32, %arg2: memref<32768xf32, #tpu.memory_space<hbm>>, %arg3: memref<32768xi32, #tpu.memory_space<hbm>>, %arg4: memref<1024xi32, #tpu.memory_space<hbm>>, %arg5: memref<32768xf32, #tpu.memory_space<vmem>>, %arg6: memref<32768xi32, #tpu.memory_space<vmem>>, %arg7: memref<32xi32, #tpu.memory_space<vmem>>, %arg8: memref<32xi32, #tpu.memory_space<vmem>>, %arg9: memref<32xi32, #tpu.memory_space<vmem>>, %arg10: memref<!tpu.dma_semaphore, #tpu.memory_space<semaphore_mem>>, %arg11: memref<!tpu.dma_semaphore, #tpu.memory_space<semaphore_mem>>, %arg12: memref<!tpu.dma_semaphore, #tpu.memory_space<semaphore_mem>>) attributes {dimension_semantics = [#tpu.dimension_semantics<core_parallel>, #tpu.dimension_semantics<subcore_parallel>], iteration_bounds = array<i64: 2, 16>, scalar_prefetch = 0 : i64, scratch_operands = 8 : i64, tpu.core_type = #tpu.core_type<sc_vector_subcore>, window_params = [{transform_indices = #map}, {transform_indices = #map}, {transform_indices = #map}]} {
    %mul3A = arith.constant 2 : i32
    %mul3A_0 = arith.muli %arg1, %mul3A : i32
    %add3A = arith.addi %mul3A_0, %arg0 : i32
    %mul3A_1 = arith.constant 32 : i32
    %mul3A_2 = arith.muli %add3A, %mul3A_1 : i32
    %iota3A = tpu.iota {dimensions = array<i32: 0>} : vector<16xi32>
    %sub3A = arith.constant 1 : i32
    %sub3A_3 = arith.subi %add3A, %sub3A : i32
    %jit3A = arith.constant 0 : i32
    %jit3A_4 = arith.constant 29 : i32
    %max3A = arith.maxsi %jit3A, %sub3A_3 : i32
    %min3A = arith.minsi %jit3A_4, %max3A : i32
    %add3A_5 = arith.constant 0 : i32
    %add3A_6 = arith.addi %min3A, %add3A_5 : i32
    %mul3A_7 = arith.constant 1024 : i32
    %mul3A_8 = arith.muli %add3A_6, %mul3A_7 : i32
    %dma_start3A = arith.constant 0 : i32
    %dma_start3A_9 = tpu.memref_slice %arg6[%dma_start3A] : memref<32768xi32, #tpu.memory_space<vmem>> -> memref<1024xi32, #tpu.memory_space<vmem>>
    %dma_start3A_10 = tpu.memref_slice %arg3[%mul3A_8] : memref<32768xi32, #tpu.memory_space<hbm>> -> memref<1024xi32, #tpu.memory_space<hbm>>
    %dma_start3A_11 = arith.constant 0 : i32
    %dma_start3A_12 = tpu.memref_slice %arg6[%dma_start3A_11] : memref<32768xi32, #tpu.memory_space<vmem>> -> memref<1024xi32, #tpu.memory_space<vmem>>
    %dma_start3A_13 = tpu.memref_slice %arg3[%mul3A_8] : memref<32768xi32, #tpu.memory_space<hbm>> -> memref<1024xi32, #tpu.memory_space<hbm>>
    tpu.enqueue_dma source(%dma_start3A_13 : memref<1024xi32, #tpu.memory_space<hbm>>) target(%dma_start3A_12 : memref<1024xi32, #tpu.memory_space<vmem>>) target_semaphore(%arg11 : memref<!tpu.dma_semaphore, #tpu.memory_space<semaphore_mem>>)
    %dma_start3A_14 = arith.constant 0 : i32
    %dma_start3A_15 = tpu.memref_slice %arg5[%dma_start3A_14] : memref<32768xf32, #tpu.memory_space<vmem>> -> memref<1024xf32, #tpu.memory_space<vmem>>
    %dma_start3A_16 = tpu.memref_slice %arg2[%mul3A_8] : memref<32768xf32, #tpu.memory_space<hbm>> -> memref<1024xf32, #tpu.memory_space<hbm>>
    %dma_start3A_17 = arith.constant 0 : i32
    %dma_start3A_18 = tpu.memref_slice %arg5[%dma_start3A_17] : memref<32768xf32, #tpu.memory_space<vmem>> -> memref<1024xf32, #tpu.memory_space<vmem>>
    %dma_start3A_19 = tpu.memref_slice %arg2[%mul3A_8] : memref<32768xf32, #tpu.memory_space<hbm>> -> memref<1024xf32, #tpu.memory_space<hbm>>
    tpu.enqueue_dma source(%dma_start3A_19 : memref<1024xf32, #tpu.memory_space<hbm>>) target(%dma_start3A_18 : memref<1024xf32, #tpu.memory_space<vmem>>) target_semaphore(%arg12 : memref<!tpu.dma_semaphore, #tpu.memory_space<semaphore_mem>>)
    %add3A_20 = arith.constant 1 : i32
    %add3A_21 = arith.addi %min3A, %add3A_20 : i32
    %mul3A_22 = arith.constant 1024 : i32
    %mul3A_23 = arith.muli %add3A_21, %mul3A_22 : i32
    %dma_start3A_24 = arith.constant 1024 : i32
    %dma_start3A_25 = tpu.memref_slice %arg6[%dma_start3A_24] : memref<32768xi32, #tpu.memory_space<vmem>> -> memref<1024xi32, #tpu.memory_space<vmem>>
    %dma_start3A_26 = tpu.memref_slice %arg3[%mul3A_23] : memref<32768xi32, #tpu.memory_space<hbm>> -> memref<1024xi32, #tpu.memory_space<hbm>>
    %dma_start3A_27 = arith.constant 1024 : i32
    %dma_start3A_28 = tpu.memref_slice %arg6[%dma_start3A_27] : memref<32768xi32, #tpu.memory_space<vmem>> -> memref<1024xi32, #tpu.memory_space<vmem>>
    %dma_start3A_29 = tpu.memref_slice %arg3[%mul3A_23] : memref<32768xi32, #tpu.memory_space<hbm>> -> memref<1024xi32, #tpu.memory_space<hbm>>
    tpu.enqueue_dma source(%dma_start3A_29 : memref<1024xi32, #tpu.memory_space<hbm>>) target(%dma_start3A_28 : memref<1024xi32, #tpu.memory_space<vmem>>) target_semaphore(%arg11 : memref<!tpu.dma_semaphore, #tpu.memory_space<semaphore_mem>>)
    %dma_start3A_30 = arith.constant 1024 : i32
    %dma_start3A_31 = tpu.memref_slice %arg5[%dma_start3A_30] : memref<32768xf32, #tpu.memory_space<vmem>> -> memref<1024xf32, #tpu.memory_space<vmem>>
    %dma_start3A_32 = tpu.memref_slice %arg2[%mul3A_23] : memref<32768xf32, #tpu.memory_space<hbm>> -> memref<1024xf32, #tpu.memory_space<hbm>>
    %dma_start3A_33 = arith.constant 1024 : i32
    %dma_start3A_34 = tpu.memref_slice %arg5[%dma_start3A_33] : memref<32768xf32, #tpu.memory_space<vmem>> -> memref<1024xf32, #tpu.memory_space<vmem>>
    %dma_start3A_35 = tpu.memref_slice %arg2[%mul3A_23] : memref<32768xf32, #tpu.memory_space<hbm>> -> memref<1024xf32, #tpu.memory_space<hbm>>
    tpu.enqueue_dma source(%dma_start3A_35 : memref<1024xf32, #tpu.memory_space<hbm>>) target(%dma_start3A_34 : memref<1024xf32, #tpu.memory_space<vmem>>) target_semaphore(%arg12 : memref<!tpu.dma_semaphore, #tpu.memory_space<semaphore_mem>>)
    %add3A_36 = arith.constant 2 : i32
    %add3A_37 = arith.addi %min3A, %add3A_36 : i32
    %mul3A_38 = arith.constant 1024 : i32
    %mul3A_39 = arith.muli %add3A_37, %mul3A_38 : i32
    %dma_start3A_40 = arith.constant 2048 : i32
    %dma_start3A_41 = tpu.memref_slice %arg6[%dma_start3A_40] : memref<32768xi32, #tpu.memory_space<vmem>> -> memref<1024xi32, #tpu.memory_space<vmem>>
    %dma_start3A_42 = tpu.memref_slice %arg3[%mul3A_39] : memref<32768xi32, #tpu.memory_space<hbm>> -> memref<1024xi32, #tpu.memory_space<hbm>>
    %dma_start3A_43 = arith.constant 2048 : i32
    %dma_start3A_44 = tpu.memref_slice %arg6[%dma_start3A_43] : memref<32768xi32, #tpu.memory_space<vmem>> -> memref<1024xi32, #tpu.memory_space<vmem>>
    %dma_start3A_45 = tpu.memref_slice %arg3[%mul3A_39] : memref<32768xi32, #tpu.memory_space<hbm>> -> memref<1024xi32, #tpu.memory_space<hbm>>
    tpu.enqueue_dma source(%dma_start3A_45 : memref<1024xi32, #tpu.memory_space<hbm>>) target(%dma_start3A_44 : memref<1024xi32, #tpu.memory_space<vmem>>) target_semaphore(%arg11 : memref<!tpu.dma_semaphore, #tpu.memory_space<semaphore_mem>>)
    %dma_start3A_46 = arith.constant 2048 : i32
    %dma_start3A_47 = tpu.memref_slice %arg5[%dma_start3A_46] : memref<32768xf32, #tpu.memory_space<vmem>> -> memref<1024xf32, #tpu.memory_space<vmem>>
    %dma_start3A_48 = tpu.memref_slice %arg2[%mul3A_39] : memref<32768xf32, #tpu.memory_space<hbm>> -> memref<1024xf32, #tpu.memory_space<hbm>>
    %dma_start3A_49 = arith.constant 2048 : i32
    %dma_start3A_50 = tpu.memref_slice %arg5[%dma_start3A_49] : memref<32768xf32, #tpu.memory_space<vmem>> -> memref<1024xf32, #tpu.memory_space<vmem>>
    %dma_start3A_51 = tpu.memref_slice %arg2[%mul3A_39] : memref<32768xf32, #tpu.memory_space<hbm>> -> memref<1024xf32, #tpu.memory_space<hbm>>
    tpu.enqueue_dma source(%dma_start3A_51 : memref<1024xf32, #tpu.memory_space<hbm>>) target(%dma_start3A_50 : memref<1024xf32, #tpu.memory_space<vmem>>) target_semaphore(%arg12 : memref<!tpu.dma_semaphore, #tpu.memory_space<semaphore_mem>>)
    %add3A_52 = arith.constant 0 : i32
    %add3A_53 = vector.broadcast %add3A_52 : i32 to vector<16xi32>
    %add3A_54 = arith.addi %iota3A, %add3A_53 : vector<16xi32>
    %mul3A_55 = arith.constant 1024 : i32
    %mul3A_56 = vector.broadcast %mul3A_55 : i32 to vector<16xi32>
    %mul3A_57 = arith.muli %add3A_54, %mul3A_56 : vector<16xi32>
    %swap3A = arith.constant 0 : index
    %swap3A_58 = tpu.vector_load %arg7[%swap3A] {strides = array<i32>} : memref<32xi32, #tpu.memory_space<vmem>>, vector<16xi32>,
    tpu.vector_store %arg7[%swap3A], %mul3A_57 {strides = array<i32>} : memref<32xi32, #tpu.memory_space<vmem>>, vector<16xi32>,
    %add3A_59 = arith.constant 16 : i32
    %add3A_60 = vector.broadcast %add3A_59 : i32 to vector<16xi32>
    %add3A_61 = arith.addi %iota3A, %add3A_60 : vector<16xi32>
    %mul3A_62 = arith.constant 1024 : i32
    %mul3A_63 = vector.broadcast %mul3A_62 : i32 to vector<16xi32>
    %mul3A_64 = arith.muli %add3A_61, %mul3A_63 : vector<16xi32>
    %swap3A_65 = arith.constant 16 : index
    %swap3A_66 = tpu.vector_load %arg7[%swap3A_65] {strides = array<i32>} : memref<32xi32, #tpu.memory_space<vmem>>, vector<16xi32>,
    tpu.vector_store %arg7[%swap3A_65], %mul3A_64 {strides = array<i32>} : memref<32xi32, #tpu.memory_space<vmem>>, vector<16xi32>,
    %dma_start3A_67 = arith.constant 0 : i32
    %dma_start3A_68 = tpu.memref_slice %arg3[%dma_start3A_67] : memref<32768xi32, #tpu.memory_space<hbm>> -> memref<32768xi32, #tpu.memory_space<hbm>>
    tpu.enqueue_indirect_dma source(%dma_start3A_68 : memref<32768xi32, #tpu.memory_space<hbm>>) target(%arg8 : memref<32xi32, #tpu.memory_space<vmem>>) offsets(%arg7 : memref<32xi32, #tpu.memory_space<vmem>>) semaphore(%arg10 : memref<!tpu.dma_semaphore, #tpu.memory_space<semaphore_mem>>)
    %dma_wait3A = arith.constant 0 : i32
    %dma_wait3A_69 = tpu.memref_slice %arg3[%dma_wait3A] : memref<32768xi32, #tpu.memory_space<hbm>> -> memref<32768xi32, #tpu.memory_space<hbm>>
    tpu.wait_indirect_dma semaphore(%arg10 : memref<!tpu.dma_semaphore, #tpu.memory_space<semaphore_mem>>) src(%dma_wait3A_69 : memref<32768xi32, #tpu.memory_space<hbm>>) dst(%arg8 : memref<32xi32, #tpu.memory_space<vmem>>)
    %get3A = arith.constant 0 : index
    %get3A_70 = tpu.vector_load %arg8[%get3A] {strides = array<i32>} : memref<32xi32, #tpu.memory_space<vmem>>, vector<16xi32>,
    %lt3A = vector.broadcast %mul3A_2 : i32 to vector<16xi32>
    %lt3A_71 = arith.cmpi slt, %get3A_70, %lt3A : vector<16xi32>
    %all_reduce_population_count3A = tpu.all_reduce %lt3A_71 {dim = 0 : i64, kind = #tpu.reduction_kind<sum>} : vector<16xi1> -> vector<16xi32>
    %slice3A = vector.extract_strided_slice %all_reduce_population_count3A {offsets = [0], sizes = [1], strides = [1]} : vector<16xi32> to vector<1xi32>
    %squeeze3A = vector.extract %slice3A[0] : i32 from vector<1xi32>
    %add3A_72 = arith.constant 0 : i32
    %add3A_73 = arith.addi %add3A_72, %squeeze3A : i32
    %add3A_74 = arith.constant 32 : i32
    %add3A_75 = arith.addi %mul3A_2, %add3A_74 : i32
    %lt3A_76 = vector.broadcast %add3A_75 : i32 to vector<16xi32>
    %lt3A_77 = arith.cmpi slt, %get3A_70, %lt3A_76 : vector<16xi32>
    %all_reduce_population_count3A_78 = tpu.all_reduce %lt3A_77 {dim = 0 : i64, kind = #tpu.reduction_kind<sum>} : vector<16xi1> -> vector<16xi32>
    %slice3A_79 = vector.extract_strided_slice %all_reduce_population_count3A_78 {offsets = [0], sizes = [1], strides = [1]} : vector<16xi32> to vector<1xi32>
    %squeeze3A_80 = vector.extract %slice3A_79[0] : i32 from vector<1xi32>
    %add3A_81 = arith.constant 0 : i32
    %add3A_82 = arith.addi %add3A_81, %squeeze3A_80 : i32
    %get3A_83 = arith.constant 16 : index
    %get3A_84 = tpu.vector_load %arg8[%get3A_83] {strides = array<i32>} : memref<32xi32, #tpu.memory_space<vmem>>, vector<16xi32>,
    %lt3A_85 = vector.broadcast %mul3A_2 : i32 to vector<16xi32>
    %lt3A_86 = arith.cmpi slt, %get3A_84, %lt3A_85 : vector<16xi32>
    %all_reduce_population_count3A_87 = tpu.all_reduce %lt3A_86 {dim = 0 : i64, kind = #tpu.reduction_kind<sum>} : vector<16xi1> -> vector<16xi32>
    %slice3A_88 = vector.extract_strided_slice %all_reduce_population_count3A_87 {offsets = [0], sizes = [1], strides = [1]} : vector<16xi32> to vector<1xi32>
    %squeeze3A_89 = vector.extract %slice3A_88[0] : i32 from vector<1xi32>
    %add3A_90 = arith.addi %add3A_73, %squeeze3A_89 : i32
    %add3A_91 = arith.constant 32 : i32
    %add3A_92 = arith.addi %mul3A_2, %add3A_91 : i32
    %lt3A_93 = vector.broadcast %add3A_92 : i32 to vector<16xi32>
    %lt3A_94 = arith.cmpi slt, %get3A_84, %lt3A_93 : vector<16xi32>
    %all_reduce_population_count3A_95 = tpu.all_reduce %lt3A_94 {dim = 0 : i64, kind = #tpu.reduction_kind<sum>} : vector<16xi1> -> vector<16xi32>
    %slice3A_96 = vector.extract_strided_slice %all_reduce_population_count3A_95 {offsets = [0], sizes = [1], strides = [1]} : vector<16xi32> to vector<1xi32>
    %squeeze3A_97 = vector.extract %slice3A_96[0] : i32 from vector<1xi32>
    %add3A_98 = arith.addi %add3A_82, %squeeze3A_97 : i32
    %sub3A_99 = arith.constant 1 : i32
    %sub3A_100 = arith.subi %add3A_90, %sub3A_99 : i32
    %max3A_101 = arith.constant 0 : i32
    %max3A_102 = arith.maxsi %sub3A_100, %max3A_101 : i32
    %gt3A = arith.constant 0 : i32
    %gt3A_103 = arith.cmpi sgt, %add3A_98, %gt3A : i32
    %sub3A_104 = arith.subi %add3A_98, %max3A_102 : i32
    %jit3A_105 = arith.constant 0 : i32
    %select_n3A = arith.select %gt3A_103, %sub3A_104, %jit3A_105 : i32
    %ge3A = arith.cmpi sge, %max3A_102, %min3A : i32
    %add3A_106 = arith.addi %max3A_102, %select_n3A : i32
    %add3A_107 = arith.constant 3 : i32
    %add3A_108 = arith.addi %min3A, %add3A_107 : i32
    %le3A = arith.cmpi sle, %add3A_106, %add3A_108 : i32
    %and3A = arith.andi %ge3A, %le3A : i1
    %broadcast_in_dim3A = arith.constant -1 : i32
    %broadcast_in_dim3A_109 = vector.broadcast %broadcast_in_dim3A : i32 to vector<16xi32>
    %swap3A_110 = arith.constant 0 : index
    %swap3A_111 = tpu.vector_load %arg9[%swap3A_110] {strides = array<i32>} : memref<32xi32, #tpu.memory_space<vmem>>, vector<16xi32>,
    tpu.vector_store %arg9[%swap3A_110], %broadcast_in_dim3A_109 {strides = array<i32>} : memref<32xi32, #tpu.memory_space<vmem>>, vector<16xi32>,
    %broadcast_in_dim3A_112 = arith.constant -1 : i32
    %broadcast_in_dim3A_113 = vector.broadcast %broadcast_in_dim3A_112 : i32 to vector<16xi32>
    %swap3A_114 = arith.constant 16 : index
    %swap3A_115 = tpu.vector_load %arg9[%swap3A_114] {strides = array<i32>} : memref<32xi32, #tpu.memory_space<vmem>>, vector<16xi32>,
    tpu.vector_store %arg9[%swap3A_114], %broadcast_in_dim3A_113 {strides = array<i32>} : memref<32xi32, #tpu.memory_space<vmem>>, vector<16xi32>,
    %add3A_116 = arith.constant 0 : i32
    %add3A_117 = arith.addi %min3A, %add3A_116 : i32
    %mul3A_118 = arith.constant 1024 : i32
    %mul3A_119 = arith.muli %add3A_117, %mul3A_118 : i32
    %dma_wait3A_120 = arith.constant 0 : i32
    %dma_wait3A_121 = tpu.memref_slice %arg6[%dma_wait3A_120] : memref<32768xi32, #tpu.memory_space<vmem>> -> memref<1024xi32, #tpu.memory_space<vmem>>
    %dma_wait3A_122 = tpu.memref_slice %arg3[%mul3A_119] : memref<32768xi32, #tpu.memory_space<hbm>> -> memref<1024xi32, #tpu.memory_space<hbm>>
    %dma_wait3A_123 = arith.constant 0 : i32
    %dma_wait3A_124 = tpu.memref_slice %arg6[%dma_wait3A_123] : memref<32768xi32, #tpu.memory_space<vmem>> -> memref<1024xi32, #tpu.memory_space<vmem>>
    %dma_wait3A_125 = tpu.memref_slice %arg3[%mul3A_119] : memref<32768xi32, #tpu.memory_space<hbm>> -> memref<1024xi32, #tpu.memory_space<hbm>>
    tpu.wait_dma2 semaphore(%arg11 : memref<!tpu.dma_semaphore, #tpu.memory_space<semaphore_mem>>) src(%dma_wait3A_125 : memref<1024xi32, #tpu.memory_space<hbm>>) dst(%dma_wait3A_124 : memref<1024xi32, #tpu.memory_space<vmem>>)
    %dma_wait3A_126 = arith.constant 0 : i32
    %dma_wait3A_127 = tpu.memref_slice %arg5[%dma_wait3A_126] : memref<32768xf32, #tpu.memory_space<vmem>> -> memref<1024xf32, #tpu.memory_space<vmem>>
    %dma_wait3A_128 = tpu.memref_slice %arg2[%mul3A_119] : memref<32768xf32, #tpu.memory_space<hbm>> -> memref<1024xf32, #tpu.memory_space<hbm>>
    %dma_wait3A_129 = arith.constant 0 : i32
    %dma_wait3A_130 = tpu.memref_slice %arg5[%dma_wait3A_129] : memref<32768xf32, #tpu.memory_space<vmem>> -> memref<1024xf32, #tpu.memory_space<vmem>>
    %dma_wait3A_131 = tpu.memref_slice %arg2[%mul3A_119] : memref<32768xf32, #tpu.memory_space<hbm>> -> memref<1024xf32, #tpu.memory_space<hbm>>
    tpu.wait_dma2 semaphore(%arg12 : memref<!tpu.dma_semaphore, #tpu.memory_space<semaphore_mem>>) src(%dma_wait3A_131 : memref<1024xf32, #tpu.memory_space<hbm>>) dst(%dma_wait3A_130 : memref<1024xf32, #tpu.memory_space<vmem>>)
    %add3A_132 = arith.constant 1 : i32
    %add3A_133 = arith.addi %min3A, %add3A_132 : i32
    %mul3A_134 = arith.constant 1024 : i32
    %mul3A_135 = arith.muli %add3A_133, %mul3A_134 : i32
    %dma_wait3A_136 = arith.constant 1024 : i32
    %dma_wait3A_137 = tpu.memref_slice %arg6[%dma_wait3A_136] : memref<32768xi32, #tpu.memory_space<vmem>> -> memref<1024xi32, #tpu.memory_space<vmem>>
    %dma_wait3A_138 = tpu.memref_slice %arg3[%mul3A_135] : memref<32768xi32, #tpu.memory_space<hbm>> -> memref<1024xi32, #tpu.memory_space<hbm>>
    %dma_wait3A_139 = arith.constant 1024 : i32
    %dma_wait3A_140 = tpu.memref_slice %arg6[%dma_wait3A_139] : memref<32768xi32, #tpu.memory_space<vmem>> -> memref<1024xi32, #tpu.memory_space<vmem>>
    %dma_wait3A_141 = tpu.memref_slice %arg3[%mul3A_135] : memref<32768xi32, #tpu.memory_space<hbm>> -> memref<1024xi32, #tpu.memory_space<hbm>>
    tpu.wait_dma2 semaphore(%arg11 : memref<!tpu.dma_semaphore, #tpu.memory_space<semaphore_mem>>) src(%dma_wait3A_141 : memref<1024xi32, #tpu.memory_space<hbm>>) dst(%dma_wait3A_140 : memref<1024xi32, #tpu.memory_space<vmem>>)
    %dma_wait3A_142 = arith.constant 1024 : i32
    %dma_wait3A_143 = tpu.memref_slice %arg5[%dma_wait3A_142] : memref<32768xf32, #tpu.memory_space<vmem>> -> memref<1024xf32, #tpu.memory_space<vmem>>
    %dma_wait3A_144 = tpu.memref_slice %arg2[%mul3A_135] : memref<32768xf32, #tpu.memory_space<hbm>> -> memref<1024xf32, #tpu.memory_space<hbm>>
    %dma_wait3A_145 = arith.constant 1024 : i32
    %dma_wait3A_146 = tpu.memref_slice %arg5[%dma_wait3A_145] : memref<32768xf32, #tpu.memory_space<vmem>> -> memref<1024xf32, #tpu.memory_space<vmem>>
    %dma_wait3A_147 = tpu.memref_slice %arg2[%mul3A_135] : memref<32768xf32, #tpu.memory_space<hbm>> -> memref<1024xf32, #tpu.memory_space<hbm>>
    tpu.wait_dma2 semaphore(%arg12 : memref<!tpu.dma_semaphore, #tpu.memory_space<semaphore_mem>>) src(%dma_wait3A_147 : memref<1024xf32, #tpu.memory_space<hbm>>) dst(%dma_wait3A_146 : memref<1024xf32, #tpu.memory_space<vmem>>)
    %add3A_148 = arith.constant 2 : i32
    %add3A_149 = arith.addi %min3A, %add3A_148 : i32
    %mul3A_150 = arith.constant 1024 : i32
    %mul3A_151 = arith.muli %add3A_149, %mul3A_150 : i32
    %dma_wait3A_152 = arith.constant 2048 : i32
    %dma_wait3A_153 = tpu.memref_slice %arg6[%dma_wait3A_152] : memref<32768xi32, #tpu.memory_space<vmem>> -> memref<1024xi32, #tpu.memory_space<vmem>>
    %dma_wait3A_154 = tpu.memref_slice %arg3[%mul3A_151] : memref<32768xi32, #tpu.memory_space<hbm>> -> memref<1024xi32, #tpu.memory_space<hbm>>
    %dma_wait3A_155 = arith.constant 2048 : i32
    %dma_wait3A_156 = tpu.memref_slice %arg6[%dma_wait3A_155] : memref<32768xi32, #tpu.memory_space<vmem>> -> memref<1024xi32, #tpu.memory_space<vmem>>
    %dma_wait3A_157 = tpu.memref_slice %arg3[%mul3A_151] : memref<32768xi32, #tpu.memory_space<hbm>> -> memref<1024xi32, #tpu.memory_space<hbm>>
    tpu.wait_dma2 semaphore(%arg11 : memref<!tpu.dma_semaphore, #tpu.memory_space<semaphore_mem>>) src(%dma_wait3A_157 : memref<1024xi32, #tpu.memory_space<hbm>>) dst(%dma_wait3A_156 : memref<1024xi32, #tpu.memory_space<vmem>>)
    %dma_wait3A_158 = arith.constant 2048 : i32
    %dma_wait3A_159 = tpu.memref_slice %arg5[%dma_wait3A_158] : memref<32768xf32, #tpu.memory_space<vmem>> -> memref<1024xf32, #tpu.memory_space<vmem>>
    %dma_wait3A_160 = tpu.memref_slice %arg2[%mul3A_151] : memref<32768xf32, #tpu.memory_space<hbm>> -> memref<1024xf32, #tpu.memory_space<hbm>>
    %dma_wait3A_161 = arith.constant 2048 : i32
    %dma_wait3A_162 = tpu.memref_slice %arg5[%dma_wait3A_161] : memref<32768xf32, #tpu.memory_space<vmem>> -> memref<1024xf32, #tpu.memory_space<vmem>>
    %dma_wait3A_163 = tpu.memref_slice %arg2[%mul3A_151] : memref<32768xf32, #tpu.memory_space<hbm>> -> memref<1024xf32, #tpu.memory_space<hbm>>
    tpu.wait_dma2 semaphore(%arg12 : memref<!tpu.dma_semaphore, #tpu.memory_space<semaphore_mem>>) src(%dma_wait3A_163 : memref<1024xf32, #tpu.memory_space<hbm>>) dst(%dma_wait3A_162 : memref<1024xf32, #tpu.memory_space<vmem>>)
    %convert_element_type3A = arith.extui %and3A : i1 to i32
    %cond3A = arith.constant 0 : i32
    %cond3A_164 = arith.constant 0 : i32
    %cond3A_165 = arith.cmpi ne, %convert_element_type3A, %cond3A_164 : i32
    %cond3A_166 = scf.if %cond3A_165 -> (i32) {
      %cond3A_1165 = arith.constant 0 : i32
      scf.yield %cond3A_1165 : i32
    } else {
      %while3A_1165 = arith.constant 0 : i32
      %while3A_1166 = arith.constant 0 : i32
      %while3A_1167 = arith.subi %select_n3A, %while3A_1166 : i32
      %while3A_1168 = arith.addi %while3A_1166, %while3A_1167 : i32
      %while3A_1169 = arith.constant 1 : i32
      %while3A_1170 = arith.divsi %while3A_1167, %while3A_1169 : i32
      %while3A_1171 = arith.muli %while3A_1170, %while3A_1169 : i32
      %while3A_1172 = arith.addi %while3A_1166, %while3A_1171 : i32
      %while3A_1173 = arith.constant 1 : i32
      scf.for %while3A_1186 = %while3A_1166 to %while3A_1172 step %while3A_1173  : i32 {
        %add3A_1187 = arith.addi %max3A_102, %while3A_1186 : i32
        %mul3A_1188 = arith.constant 1024 : i32
        %mul3A_1189 = arith.muli %add3A_1187, %mul3A_1188 : i32
        %mul3A_1190 = arith.constant 1024 : i32
        %mul3A_1191 = arith.muli %while3A_1186, %mul3A_1190 : i32
        %dma_start3A_1192 = tpu.memref_slice %arg6[%mul3A_1191] : memref<32768xi32, #tpu.memory_space<vmem>> -> memref<1024xi32, #tpu.memory_space<vmem>>
        %dma_start3A_1193 = tpu.memref_slice %arg3[%mul3A_1189] : memref<32768xi32, #tpu.memory_space<hbm>> -> memref<1024xi32, #tpu.memory_space<hbm>>
        %dma_start3A_1194 = tpu.memref_slice %arg6[%mul3A_1191] : memref<32768xi32, #tpu.memory_space<vmem>> -> memref<1024xi32, #tpu.memory_space<vmem>>
        %dma_start3A_1195 = tpu.memref_slice %arg3[%mul3A_1189] : memref<32768xi32, #tpu.memory_space<hbm>> -> memref<1024xi32, #tpu.memory_space<hbm>>
        tpu.enqueue_dma source(%dma_start3A_1195 : memref<1024xi32, #tpu.memory_space<hbm>>) target(%dma_start3A_1194 : memref<1024xi32, #tpu.memory_space<vmem>>) target_semaphore(%arg11 : memref<!tpu.dma_semaphore, #tpu.memory_space<semaphore_mem>>)
        %dma_start3A_1196 = tpu.memref_slice %arg5[%mul3A_1191] : memref<32768xf32, #tpu.memory_space<vmem>> -> memref<1024xf32, #tpu.memory_space<vmem>>
        %dma_start3A_1197 = tpu.memref_slice %arg2[%mul3A_1189] : memref<32768xf32, #tpu.memory_space<hbm>> -> memref<1024xf32, #tpu.memory_space<hbm>>
        %dma_start3A_1198 = tpu.memref_slice %arg5[%mul3A_1191] : memref<32768xf32, #tpu.memory_space<vmem>> -> memref<1024xf32, #tpu.memory_space<vmem>>
        %dma_start3A_1199 = tpu.memref_slice %arg2[%mul3A_1189] : memref<32768xf32, #tpu.memory_space<hbm>> -> memref<1024xf32, #tpu.memory_space<hbm>>
        tpu.enqueue_dma source(%dma_start3A_1199 : memref<1024xf32, #tpu.memory_space<hbm>>) target(%dma_start3A_1198 : memref<1024xf32, #tpu.memory_space<vmem>>) target_semaphore(%arg12 : memref<!tpu.dma_semaphore, #tpu.memory_space<semaphore_mem>>)
      }
      %while3A_1174 = arith.constant 1 : i32
      scf.for %while3A_1186 = %while3A_1172 to %while3A_1168 step %while3A_1174  : i32 {
        %add3A_1187 = arith.addi %max3A_102, %while3A_1186 : i32
        %mul3A_1188 = arith.constant 1024 : i32
        %mul3A_1189 = arith.muli %add3A_1187, %mul3A_1188 : i32
        %mul3A_1190 = arith.constant 1024 : i32
        %mul3A_1191 = arith.muli %while3A_1186, %mul3A_1190 : i32
        %dma_start3A_1192 = tpu.memref_slice %arg6[%mul3A_1191] : memref<32768xi32, #tpu.memory_space<vmem>> -> memref<1024xi32, #tpu.memory_space<vmem>>
        %dma_start3A_1193 = tpu.memref_slice %arg3[%mul3A_1189] : memref<32768xi32, #tpu.memory_space<hbm>> -> memref<1024xi32, #tpu.memory_space<hbm>>
        %dma_start3A_1194 = tpu.memref_slice %arg6[%mul3A_1191] : memref<32768xi32, #tpu.memory_space<vmem>> -> memref<1024xi32, #tpu.memory_space<vmem>>
        %dma_start3A_1195 = tpu.memref_slice %arg3[%mul3A_1189] : memref<32768xi32, #tpu.memory_space<hbm>> -> memref<1024xi32, #tpu.memory_space<hbm>>
        tpu.enqueue_dma source(%dma_start3A_1195 : memref<1024xi32, #tpu.memory_space<hbm>>) target(%dma_start3A_1194 : memref<1024xi32, #tpu.memory_space<vmem>>) target_semaphore(%arg11 : memref<!tpu.dma_semaphore, #tpu.memory_space<semaphore_mem>>)
        %dma_start3A_1196 = tpu.memref_slice %arg5[%mul3A_1191] : memref<32768xf32, #tpu.memory_space<vmem>> -> memref<1024xf32, #tpu.memory_space<vmem>>
        %dma_start3A_1197 = tpu.memref_slice %arg2[%mul3A_1189] : memref<32768xf32, #tpu.memory_space<hbm>> -> memref<1024xf32, #tpu.memory_space<hbm>>
        %dma_start3A_1198 = tpu.memref_slice %arg5[%mul3A_1191] : memref<32768xf32, #tpu.memory_space<vmem>> -> memref<1024xf32, #tpu.memory_space<vmem>>
        %dma_start3A_1199 = tpu.memref_slice %arg2[%mul3A_1189] : memref<32768xf32, #tpu.memory_space<hbm>> -> memref<1024xf32, #tpu.memory_space<hbm>>
        tpu.enqueue_dma source(%dma_start3A_1199 : memref<1024xf32, #tpu.memory_space<hbm>>) target(%dma_start3A_1198 : memref<1024xf32, #tpu.memory_space<vmem>>) target_semaphore(%arg12 : memref<!tpu.dma_semaphore, #tpu.memory_space<semaphore_mem>>)
      }
      %while3A_1175 = arith.constant 0 : i32
      %while3A_1176 = arith.constant 0 : i32
      %while3A_1177 = arith.subi %select_n3A, %while3A_1176 : i32
      %while3A_1178 = arith.addi %while3A_1176, %while3A_1177 : i32
      %while3A_1179 = arith.constant 1 : i32
      %while3A_1180 = arith.divsi %while3A_1177, %while3A_1179 : i32
      %while3A_1181 = arith.muli %while3A_1180, %while3A_1179 : i32
      %while3A_1182 = arith.addi %while3A_1176, %while3A_1181 : i32
      %while3A_1183 = arith.constant 1 : i32
      scf.for %while3A_1186 = %while3A_1176 to %while3A_1182 step %while3A_1183  : i32 {
        %add3A_1187 = arith.addi %max3A_102, %while3A_1186 : i32
        %mul3A_1188 = arith.constant 1024 : i32
        %mul3A_1189 = arith.muli %add3A_1187, %mul3A_1188 : i32
        %mul3A_1190 = arith.constant 1024 : i32
        %mul3A_1191 = arith.muli %while3A_1186, %mul3A_1190 : i32
        %dma_wait3A_1192 = tpu.memref_slice %arg6[%mul3A_1191] : memref<32768xi32, #tpu.memory_space<vmem>> -> memref<1024xi32, #tpu.memory_space<vmem>>
        %dma_wait3A_1193 = tpu.memref_slice %arg3[%mul3A_1189] : memref<32768xi32, #tpu.memory_space<hbm>> -> memref<1024xi32, #tpu.memory_space<hbm>>
        %dma_wait3A_1194 = tpu.memref_slice %arg6[%mul3A_1191] : memref<32768xi32, #tpu.memory_space<vmem>> -> memref<1024xi32, #tpu.memory_space<vmem>>
        %dma_wait3A_1195 = tpu.memref_slice %arg3[%mul3A_1189] : memref<32768xi32, #tpu.memory_space<hbm>> -> memref<1024xi32, #tpu.memory_space<hbm>>
        tpu.wait_dma2 semaphore(%arg11 : memref<!tpu.dma_semaphore, #tpu.memory_space<semaphore_mem>>) src(%dma_wait3A_1195 : memref<1024xi32, #tpu.memory_space<hbm>>) dst(%dma_wait3A_1194 : memref<1024xi32, #tpu.memory_space<vmem>>)
        %dma_wait3A_1196 = tpu.memref_slice %arg5[%mul3A_1191] : memref<32768xf32, #tpu.memory_space<vmem>> -> memref<1024xf32, #tpu.memory_space<vmem>>
        %dma_wait3A_1197 = tpu.memref_slice %arg2[%mul3A_1189] : memref<32768xf32, #tpu.memory_space<hbm>> -> memref<1024xf32, #tpu.memory_space<hbm>>
        %dma_wait3A_1198 = tpu.memref_slice %arg5[%mul3A_1191] : memref<32768xf32, #tpu.memory_space<vmem>> -> memref<1024xf32, #tpu.memory_space<vmem>>
        %dma_wait3A_1199 = tpu.memref_slice %arg2[%mul3A_1189] : memref<32768xf32, #tpu.memory_space<hbm>> -> memref<1024xf32, #tpu.memory_space<hbm>>
        tpu.wait_dma2 semaphore(%arg12 : memref<!tpu.dma_semaphore, #tpu.memory_space<semaphore_mem>>) src(%dma_wait3A_1199 : memref<1024xf32, #tpu.memory_space<hbm>>) dst(%dma_wait3A_1198 : memref<1024xf32, #tpu.memory_space<vmem>>)
      }
      %while3A_1184 = arith.constant 1 : i32
      scf.for %while3A_1186 = %while3A_1182 to %while3A_1178 step %while3A_1184  : i32 {
        %add3A_1187 = arith.addi %max3A_102, %while3A_1186 : i32
        %mul3A_1188 = arith.constant 1024 : i32
        %mul3A_1189 = arith.muli %add3A_1187, %mul3A_1188 : i32
        %mul3A_1190 = arith.constant 1024 : i32
        %mul3A_1191 = arith.muli %while3A_1186, %mul3A_1190 : i32
        %dma_wait3A_1192 = tpu.memref_slice %arg6[%mul3A_1191] : memref<32768xi32, #tpu.memory_space<vmem>> -> memref<1024xi32, #tpu.memory_space<vmem>>
        %dma_wait3A_1193 = tpu.memref_slice %arg3[%mul3A_1189] : memref<32768xi32, #tpu.memory_space<hbm>> -> memref<1024xi32, #tpu.memory_space<hbm>>
        %dma_wait3A_1194 = tpu.memref_slice %arg6[%mul3A_1191] : memref<32768xi32, #tpu.memory_space<vmem>> -> memref<1024xi32, #tpu.memory_space<vmem>>
        %dma_wait3A_1195 = tpu.memref_slice %arg3[%mul3A_1189] : memref<32768xi32, #tpu.memory_space<hbm>> -> memref<1024xi32, #tpu.memory_space<hbm>>
        tpu.wait_dma2 semaphore(%arg11 : memref<!tpu.dma_semaphore, #tpu.memory_space<semaphore_mem>>) src(%dma_wait3A_1195 : memref<1024xi32, #tpu.memory_space<hbm>>) dst(%dma_wait3A_1194 : memref<1024xi32, #tpu.memory_space<vmem>>)
        %dma_wait3A_1196 = tpu.memref_slice %arg5[%mul3A_1191] : memref<32768xf32, #tpu.memory_space<vmem>> -> memref<1024xf32, #tpu.memory_space<vmem>>
        %dma_wait3A_1197 = tpu.memref_slice %arg2[%mul3A_1189] : memref<32768xf32, #tpu.memory_space<hbm>> -> memref<1024xf32, #tpu.memory_space<hbm>>
        %dma_wait3A_1198 = tpu.memref_slice %arg5[%mul3A_1191] : memref<32768xf32, #tpu.memory_space<vmem>> -> memref<1024xf32, #tpu.memory_space<vmem>>
        %dma_wait3A_1199 = tpu.memref_slice %arg2[%mul3A_1189] : memref<32768xf32, #tpu.memory_space<hbm>> -> memref<1024xf32, #tpu.memory_space<hbm>>
        tpu.wait_dma2 semaphore(%arg12 : memref<!tpu.dma_semaphore, #tpu.memory_space<semaphore_mem>>) src(%dma_wait3A_1199 : memref<1024xf32, #tpu.memory_space<hbm>>) dst(%dma_wait3A_1198 : memref<1024xf32, #tpu.memory_space<vmem>>)
      }
      %cond3A_1185 = arith.constant 0 : i32
      scf.yield %cond3A_1185 : i32
    }
    %select_n3A_167 = arith.select %and3A, %min3A, %max3A_102 : i32
    %sub3A_168 = arith.subi %max3A_102, %select_n3A_167 : i32
    %mul3A_169 = arith.constant 1024 : i32
    %mul3A_170 = arith.muli %sub3A_168, %mul3A_169 : i32
    %scan3A = arith.constant 0 : i32
    %scan3A_171 = arith.constant 64 : i32
    %scan3A_172 = arith.constant 0 : i32
    %scan3A_173 = arith.constant 6 : i32
    %scan3A_174 = arith.addi %scan3A_172, %scan3A_173 : i32
    %scan3A_175 = arith.constant 1 : i32
    %scan3A_176:2 = scf.for %scan3A_1165 = %scan3A_172 to %scan3A_174 step %scan3A_175 iter_args(%scan3A_1166 = %scan3A, %scan3A_1167 = %scan3A_171) -> (i32, i32)  : i32 {
      %add3A_1168 = arith.addi %scan3A_1166, %scan3A_1167 : i32
      %jit3A_1169 = arith.constant 2 : i32
      %div3A_1170 = arith.divsi %add3A_1168, %jit3A_1169 : i32
      %sign3A_1171 = arith.constant 0 : i32
      %sign3A_1172 = arith.cmpi sgt, %add3A_1168, %sign3A_1171 : i32
      %sign3A_1173 = arith.extui %sign3A_1172 : i1 to i32
      %sign3A_1174 = arith.constant 0 : i32
      %sign3A_1175 = arith.cmpi slt, %add3A_1168, %sign3A_1174 : i32
      %sign3A_1176 = arith.extui %sign3A_1175 : i1 to i32
      %sign3A_1177 = arith.subi %sign3A_1173, %sign3A_1176 : i32
      %sign3A_1178 = arith.constant 0 : i32
      %sign3A_1179 = arith.cmpi sgt, %jit3A_1169, %sign3A_1178 : i32
      %sign3A_1180 = arith.extui %sign3A_1179 : i1 to i32
      %sign3A_1181 = arith.constant 0 : i32
      %sign3A_1182 = arith.cmpi slt, %jit3A_1169, %sign3A_1181 : i32
      %sign3A_1183 = arith.extui %sign3A_1182 : i1 to i32
      %sign3A_1184 = arith.subi %sign3A_1180, %sign3A_1183 : i32
      %ne3A_1185 = arith.cmpi ne, %sign3A_1177, %sign3A_1184 : i32
      %rem3A_1186 = arith.remsi %add3A_1168, %jit3A_1169 : i32
      %ne3A_1187 = arith.constant 0 : i32
      %ne3A_1188 = arith.cmpi ne, %rem3A_1186, %ne3A_1187 : i32
      %and3A_1189 = arith.andi %ne3A_1185, %ne3A_1188 : i1
      %sub3A_1190 = arith.constant 1 : i32
      %sub3A_1191 = arith.subi %div3A_1170, %sub3A_1190 : i32
      %select_n3A_1192 = arith.select %and3A_1189, %sub3A_1191, %div3A_1170 : i32
      %mul3A_1193 = arith.constant 16 : i32
      %mul3A_1194 = arith.muli %select_n3A_1192, %mul3A_1193 : i32
      %add3A_1195 = arith.addi %mul3A_170, %mul3A_1194 : i32
      %get3A_1196 = arith.index_cast %add3A_1195 : i32 to index
      %get3A_1197 = tpu.vector_load %arg6[%get3A_1196] {strides = array<i32>} : memref<32768xi32, #tpu.memory_space<vmem>>, vector<16xi32>,
      %slice3A_1198 = vector.extract_strided_slice %get3A_1197 {offsets = [0], sizes = [1], strides = [1]} : vector<16xi32> to vector<1xi32>
      %squeeze3A_1199 = vector.extract %slice3A_1198[0] : i32 from vector<1xi32>
      %lt3A_1200 = arith.cmpi slt, %squeeze3A_1199, %mul3A_2 : i32
      %add3A_1201 = arith.constant 1 : i32
      %add3A_1202 = arith.addi %select_n3A_1192, %add3A_1201 : i32
      %select_n3A_1203 = arith.select %lt3A_1200, %add3A_1202, %scan3A_1166 : i32
      %lt3A_1204 = arith.cmpi slt, %squeeze3A_1199, %mul3A_2 : i32
      %select_n3A_1205 = arith.select %lt3A_1204, %scan3A_1167, %select_n3A_1192 : i32
      scf.yield %select_n3A_1203, %select_n3A_1205 : i32, i32
    }
    %scan3A_177 = arith.constant 6 : i32
    %sub3A_178 = arith.constant 1 : i32
    %sub3A_179 = arith.subi %scan3A_176#0, %sub3A_178 : i32
    %max3A_180 = arith.constant 0 : i32
    %max3A_181 = arith.maxsi %sub3A_179, %max3A_180 : i32
    %mul3A_182 = arith.constant 16 : i32
    %mul3A_183 = arith.muli %max3A_181, %mul3A_182 : i32
    %add3A_184 = arith.addi %mul3A_170, %mul3A_183 : i32
    %get3A_185 = arith.index_cast %add3A_184 : i32 to index
    %get3A_186 = tpu.vector_load %arg6[%get3A_185] {strides = array<i32>} : memref<32768xi32, #tpu.memory_space<vmem>>, vector<16xi32>,
    %mul3A_187 = arith.constant 16 : i32
    %mul3A_188 = arith.muli %max3A_181, %mul3A_187 : i32
    %add3A_189 = arith.addi %mul3A_170, %mul3A_188 : i32
    %lt3A_190 = vector.broadcast %mul3A_2 : i32 to vector<16xi32>
    %lt3A_191 = arith.cmpi slt, %get3A_186, %lt3A_190 : vector<16xi32>
    %all_reduce_population_count3A_192 = tpu.all_reduce %lt3A_191 {dim = 0 : i64, kind = #tpu.reduction_kind<sum>} : vector<16xi1> -> vector<16xi32>
    %slice3A_193 = vector.extract_strided_slice %all_reduce_population_count3A_192 {offsets = [0], sizes = [1], strides = [1]} : vector<16xi32> to vector<1xi32>
    %squeeze3A_194 = vector.extract %slice3A_193[0] : i32 from vector<1xi32>
    %add3A_195 = arith.addi %add3A_189, %squeeze3A_194 : i32
    %max3A_196 = arith.constant 1 : i32
    %max3A_197 = arith.maxsi %select_n3A, %max3A_196 : i32
    %add3A_198 = arith.addi %max3A_102, %max3A_197 : i32
    %sub3A_199 = arith.constant 1 : i32
    %sub3A_200 = arith.subi %add3A_198, %sub3A_199 : i32
    %sub3A_201 = arith.subi %sub3A_200, %select_n3A_167 : i32
    %add3A_202 = arith.constant 32 : i32
    %add3A_203 = arith.addi %mul3A_2, %add3A_202 : i32
    %mul3A_204 = arith.constant 1024 : i32
    %mul3A_205 = arith.muli %sub3A_201, %mul3A_204 : i32
    %scan3A_206 = arith.constant 0 : i32
    %scan3A_207 = arith.constant 64 : i32
    %scan3A_208 = arith.constant 0 : i32
    %scan3A_209 = arith.constant 6 : i32
    %scan3A_210 = arith.addi %scan3A_208, %scan3A_209 : i32
    %scan3A_211 = arith.constant 1 : i32
    %scan3A_212:2 = scf.for %scan3A_1165 = %scan3A_208 to %scan3A_210 step %scan3A_211 iter_args(%scan3A_1166 = %scan3A_206, %scan3A_1167 = %scan3A_207) -> (i32, i32)  : i32 {
      %add3A_1168 = arith.addi %scan3A_1166, %scan3A_1167 : i32
      %jit3A_1169 = arith.constant 2 : i32
      %div3A_1170 = arith.divsi %add3A_1168, %jit3A_1169 : i32
      %sign3A_1171 = arith.constant 0 : i32
      %sign3A_1172 = arith.cmpi sgt, %add3A_1168, %sign3A_1171 : i32
      %sign3A_1173 = arith.extui %sign3A_1172 : i1 to i32
      %sign3A_1174 = arith.constant 0 : i32
      %sign3A_1175 = arith.cmpi slt, %add3A_1168, %sign3A_1174 : i32
      %sign3A_1176 = arith.extui %sign3A_1175 : i1 to i32
      %sign3A_1177 = arith.subi %sign3A_1173, %sign3A_1176 : i32
      %sign3A_1178 = arith.constant 0 : i32
      %sign3A_1179 = arith.cmpi sgt, %jit3A_1169, %sign3A_1178 : i32
      %sign3A_1180 = arith.extui %sign3A_1179 : i1 to i32
      %sign3A_1181 = arith.constant 0 : i32
      %sign3A_1182 = arith.cmpi slt, %jit3A_1169, %sign3A_1181 : i32
      %sign3A_1183 = arith.extui %sign3A_1182 : i1 to i32
      %sign3A_1184 = arith.subi %sign3A_1180, %sign3A_1183 : i32
      %ne3A_1185 = arith.cmpi ne, %sign3A_1177, %sign3A_1184 : i32
      %rem3A_1186 = arith.remsi %add3A_1168, %jit3A_1169 : i32
      %ne3A_1187 = arith.constant 0 : i32
      %ne3A_1188 = arith.cmpi ne, %rem3A_1186, %ne3A_1187 : i32
      %and3A_1189 = arith.andi %ne3A_1185, %ne3A_1188 : i1
      %sub3A_1190 = arith.constant 1 : i32
      %sub3A_1191 = arith.subi %div3A_1170, %sub3A_1190 : i32
      %select_n3A_1192 = arith.select %and3A_1189, %sub3A_1191, %div3A_1170 : i32
      %mul3A_1193 = arith.constant 16 : i32
      %mul3A_1194 = arith.muli %select_n3A_1192, %mul3A_1193 : i32
      %add3A_1195 = arith.addi %mul3A_205, %mul3A_1194 : i32
      %get3A_1196 = arith.index_cast %add3A_1195 : i32 to index
      %get3A_1197 = tpu.vector_load %arg6[%get3A_1196] {strides = array<i32>} : memref<32768xi32, #tpu.memory_space<vmem>>, vector<16xi32>,
      %slice3A_1198 = vector.extract_strided_slice %get3A_1197 {offsets = [0], sizes = [1], strides = [1]} : vector<16xi32> to vector<1xi32>
      %squeeze3A_1199 = vector.extract %slice3A_1198[0] : i32 from vector<1xi32>
      %lt3A_1200 = arith.cmpi slt, %squeeze3A_1199, %add3A_203 : i32
      %add3A_1201 = arith.constant 1 : i32
      %add3A_1202 = arith.addi %select_n3A_1192, %add3A_1201 : i32
      %select_n3A_1203 = arith.select %lt3A_1200, %add3A_1202, %scan3A_1166 : i32
      %lt3A_1204 = arith.cmpi slt, %squeeze3A_1199, %add3A_203 : i32
      %select_n3A_1205 = arith.select %lt3A_1204, %scan3A_1167, %select_n3A_1192 : i32
      scf.yield %select_n3A_1203, %select_n3A_1205 : i32, i32
    }
    %scan3A_213 = arith.constant 6 : i32
    %sub3A_214 = arith.constant 1 : i32
    %sub3A_215 = arith.subi %scan3A_212#0, %sub3A_214 : i32
    %max3A_216 = arith.constant 0 : i32
    %max3A_217 = arith.maxsi %sub3A_215, %max3A_216 : i32
    %mul3A_218 = arith.constant 16 : i32
    %mul3A_219 = arith.muli %max3A_217, %mul3A_218 : i32
    %add3A_220 = arith.addi %mul3A_205, %mul3A_219 : i32
    %get3A_221 = arith.index_cast %add3A_220 : i32 to index
    %get3A_222 = tpu.vector_load %arg6[%get3A_221] {strides = array<i32>} : memref<32768xi32, #tpu.memory_space<vmem>>, vector<16xi32>,
    %mul3A_223 = arith.constant 16 : i32
    %mul3A_224 = arith.muli %max3A_217, %mul3A_223 : i32
    %add3A_225 = arith.addi %mul3A_205, %mul3A_224 : i32
    %lt3A_226 = vector.broadcast %add3A_203 : i32 to vector<16xi32>
    %lt3A_227 = arith.cmpi slt, %get3A_222, %lt3A_226 : vector<16xi32>
    %all_reduce_population_count3A_228 = tpu.all_reduce %lt3A_227 {dim = 0 : i64, kind = #tpu.reduction_kind<sum>} : vector<16xi1> -> vector<16xi32>
    %slice3A_229 = vector.extract_strided_slice %all_reduce_population_count3A_228 {offsets = [0], sizes = [1], strides = [1]} : vector<16xi32> to vector<1xi32>
    %squeeze3A_230 = vector.extract %slice3A_229[0] : i32 from vector<1xi32>
    %add3A_231 = arith.addi %add3A_225, %squeeze3A_230 : i32
    %sub3A_232 = arith.subi %add3A_231, %add3A_195 : i32
    %max3A_233 = arith.constant 0 : i32
    %max3A_234 = arith.maxsi %sub3A_232, %max3A_233 : i32
    %gt3A_235 = arith.constant 0 : i32
    %gt3A_236 = arith.cmpi sgt, %select_n3A, %gt3A_235 : i32
    %add3A_237 = arith.constant 16 : i32
    %add3A_238 = arith.addi %max3A_234, %add3A_237 : i32
    %sub3A_239 = arith.constant 1 : i32
    %sub3A_240 = arith.subi %add3A_238, %sub3A_239 : i32
    %jit3A_241 = arith.constant 16 : i32
    %div3A = arith.divsi %sub3A_240, %jit3A_241 : i32
    %sign3A = arith.constant 0 : i32
    %sign3A_242 = arith.cmpi sgt, %sub3A_240, %sign3A : i32
    %sign3A_243 = arith.extui %sign3A_242 : i1 to i32
    %sign3A_244 = arith.constant 0 : i32
    %sign3A_245 = arith.cmpi slt, %sub3A_240, %sign3A_244 : i32
    %sign3A_246 = arith.extui %sign3A_245 : i1 to i32
    %sign3A_247 = arith.subi %sign3A_243, %sign3A_246 : i32
    %sign3A_248 = arith.constant 0 : i32
    %sign3A_249 = arith.cmpi sgt, %jit3A_241, %sign3A_248 : i32
    %sign3A_250 = arith.extui %sign3A_249 : i1 to i32
    %sign3A_251 = arith.constant 0 : i32
    %sign3A_252 = arith.cmpi slt, %jit3A_241, %sign3A_251 : i32
    %sign3A_253 = arith.extui %sign3A_252 : i1 to i32
    %sign3A_254 = arith.subi %sign3A_250, %sign3A_253 : i32
    %ne3A = arith.cmpi ne, %sign3A_247, %sign3A_254 : i32
    %rem3A = arith.remsi %sub3A_240, %jit3A_241 : i32
    %ne3A_255 = arith.constant 0 : i32
    %ne3A_256 = arith.cmpi ne, %rem3A, %ne3A_255 : i32
    %and3A_257 = arith.andi %ne3A, %ne3A_256 : i1
    %sub3A_258 = arith.constant 1 : i32
    %sub3A_259 = arith.subi %div3A, %sub3A_258 : i32
    %select_n3A_260 = arith.select %and3A_257, %sub3A_259, %div3A : i32
    %jit3A_261 = arith.constant 0 : i32
    %select_n3A_262 = arith.select %gt3A_236, %select_n3A_260, %jit3A_261 : i32
    %mul3A_263 = vector.broadcast %select_n3A_262 : i32 to vector<16xi32>
    %mul3A_264 = arith.muli %iota3A, %mul3A_263 : vector<16xi32>
    %add3A_265 = vector.broadcast %add3A_195 : i32 to vector<16xi32>
    %add3A_266 = arith.addi %add3A_265, %mul3A_264 : vector<16xi32>
    %mul3A_267 = arith.constant 1024 : i32
    %mul3A_268 = arith.muli %select_n3A_167, %mul3A_267 : i32
    %add3A_269 = vector.broadcast %mul3A_268 : i32 to vector<16xi32>
    %add3A_270 = arith.addi %add3A_269, %add3A_266 : vector<16xi32>
    %sub3A_271 = arith.constant 1 : i32
    %sub3A_272 = arith.subi %add3A_231, %sub3A_271 : i32
    %max3A_273 = arith.constant 0 : i32
    %max3A_274 = arith.maxsi %sub3A_272, %max3A_273 : i32
    %broadcast_in_dim3A_275 = arith.constant -1 : i32
    %broadcast_in_dim3A_276 = vector.broadcast %broadcast_in_dim3A_275 : i32 to vector<16xi32>
    %broadcast_in_dim3A_277 = arith.constant 0xFF800000 : f32
    %broadcast_in_dim3A_278 = vector.broadcast %broadcast_in_dim3A_277 : f32 to vector<16xf32>
    %broadcast_in_dim3A_279 = arith.constant 0 : i32
    %broadcast_in_dim3A_280 = vector.broadcast %broadcast_in_dim3A_279 : i32 to vector<16xi32>
    %lt3A_281 = arith.constant 0 : i32
    %lt3A_282 = vector.broadcast %lt3A_281 : i32 to vector<16xi32>
    %lt3A_283 = arith.cmpi slt, %iota3A, %lt3A_282 : vector<16xi32>
    %while3A = arith.constant 0 : i32
    %while3A_284 = arith.subi %select_n3A_262, %while3A : i32
    %while3A_285 = arith.addi %while3A, %while3A_284 : i32
    %while3A_286 = arith.constant 1 : i32
    %while3A_287 = arith.divsi %while3A_284, %while3A_286 : i32
    %while3A_288 = arith.muli %while3A_287, %while3A_286 : i32
    %while3A_289 = arith.addi %while3A, %while3A_288 : i32
    %while3A_290 = arith.constant 1 : i32
    %while3A_291:10 = scf.for %while3A_1165 = %while3A to %while3A_289 step %while3A_290 iter_args(%while3A_1166 = %broadcast_in_dim3A_276, %while3A_1167 = %lt3A_283, %while3A_1168 = %broadcast_in_dim3A_278, %while3A_1169 = %broadcast_in_dim3A_276, %while3A_1170 = %broadcast_in_dim3A_280, %while3A_1171 = %broadcast_in_dim3A_276, %while3A_1172 = %broadcast_in_dim3A_278, %while3A_1173 = %broadcast_in_dim3A_276, %while3A_1174 = %broadcast_in_dim3A_280, %while3A_1175 = %lt3A_283) -> (vector<16xi32>, vector<16xi1>, vector<16xf32>, vector<16xi32>, vector<16xi32>, vector<16xi32>, vector<16xf32>, vector<16xi32>, vector<16xi32>, vector<16xi1>)  : i32 {
      %add3A_1176 = vector.broadcast %while3A_1165 : i32 to vector<16xi32>
      %add3A_1177 = arith.addi %add3A_266, %add3A_1176 : vector<16xi32>
      %min3A_1178 = vector.broadcast %max3A_274 : i32 to vector<16xi32>
      %min3A_1179 = arith.minsi %add3A_1177, %min3A_1178 : vector<16xi32>
      %gather3A_1180 = tpu.vector_load_idx %arg6[%min3A_1179] : memref<32768xi32, #tpu.memory_space<vmem>>[vector<16xi32>], vector<16xi32>,
      %gather3A_1181 = tpu.vector_load_idx %arg5[%min3A_1179] : memref<32768xf32, #tpu.memory_space<vmem>>[vector<16xi32>], vector<16xf32>,
      %le3A_1182 = vector.broadcast %max3A_274 : i32 to vector<16xi32>
      %le3A_1183 = arith.cmpi sle, %add3A_1177, %le3A_1182 : vector<16xi32>
      %jit3A_1184 = arith.constant -1 : i32
      %broadcast_in_dim3A_1185 = vector.broadcast %jit3A_1184 : i32 to vector<16xi32>
      %select_n3A_1186 = arith.select %le3A_1183, %gather3A_1180, %broadcast_in_dim3A_1185 : vector<16xi1>, vector<16xi32>
      %add3A_1187 = vector.broadcast %while3A_1165 : i32 to vector<16xi32>
      %add3A_1188 = arith.addi %add3A_270, %add3A_1187 : vector<16xi32>
      %ge3A_1189 = vector.broadcast %mul3A_2 : i32 to vector<16xi32>
      %ge3A_1190 = arith.cmpi sge, %select_n3A_1186, %ge3A_1189 : vector<16xi32>
      %add3A_1191 = arith.constant 32 : i32
      %add3A_1192 = arith.addi %mul3A_2, %add3A_1191 : i32
      %lt3A_1193 = vector.broadcast %add3A_1192 : i32 to vector<16xi32>
      %lt3A_1194 = arith.cmpi slt, %select_n3A_1186, %lt3A_1193 : vector<16xi32>
      %and3A_1195 = arith.andi %ge3A_1190, %lt3A_1194 : vector<16xi1>
      %eq3A_1196 = arith.cmpi eq, %select_n3A_1186, %while3A_1166 : vector<16xi32>
      %and3A_1197 = arith.andi %while3A_1167, %eq3A_1196 : vector<16xi1>
      %eq3A_1198 = arith.cmpi eq, %select_n3A_1186, %while3A_1166 : vector<16xi32>
      %not3A = arith.constant dense<true> : vector<16xi1>
      %not3A_1199 = arith.xori %eq3A_1198, %not3A : vector<16xi1>
      %and3A_1200 = arith.andi %while3A_1167, %not3A_1199 : vector<16xi1>
      %not3A_1201 = arith.constant dense<true> : vector<16xi1>
      %not3A_1202 = arith.xori %while3A_1175, %not3A_1201 : vector<16xi1>
      %and3A_1203 = arith.andi %and3A_1200, %not3A_1202 : vector<16xi1>
      %select_n3A_1204 = arith.select %and3A_1203, %while3A_1166, %while3A_1171 : vector<16xi1>, vector<16xi32>
      %select_n3A_1205 = arith.select %and3A_1203, %while3A_1168, %while3A_1172 : vector<16xi1>, vector<16xf32>
      %select_n3A_1206 = arith.select %and3A_1203, %while3A_1169, %while3A_1173 : vector<16xi1>, vector<16xi32>
      %select_n3A_1207 = arith.select %and3A_1203, %while3A_1170, %while3A_1174 : vector<16xi1>, vector<16xi32>
      %and3A_1208 = arith.andi %and3A_1200, %while3A_1175 : vector<16xi1>
      %sub3A_1209 = vector.broadcast %mul3A_2 : i32 to vector<16xi32>
      %sub3A_1210 = arith.subi %while3A_1166, %sub3A_1209 : vector<16xi32>
      %jit3A_1211 = arith.constant 0 : i32
      %jit3A_1212 = arith.constant 31 : i32
      %max3A_1213 = vector.broadcast %jit3A_1211 : i32 to vector<16xi32>
      %max3A_1214 = arith.maxsi %max3A_1213, %sub3A_1210 : vector<16xi32>
      %min3A_1215 = vector.broadcast %jit3A_1212 : i32 to vector<16xi32>
      %min3A_1216 = arith.minsi %min3A_1215, %max3A_1214 : vector<16xi32>
      %sub3A_1217 = arith.subi %while3A_1169, %while3A_1170 : vector<16xi32>
      tpu.vector_store_idx %arg9[%min3A_1216], %sub3A_1217 masked %and3A_1208 : memref<32xi32, #tpu.memory_space<vmem>>[vector<16xi32>], vector<16xi32>, vector<16xi1>
      %or3A_1218 = arith.ori %while3A_1175, %and3A_1200 : vector<16xi1>
      %not3A_1219 = arith.constant dense<true> : vector<16xi1>
      %not3A_1220 = arith.xori %and3A_1197, %not3A_1219 : vector<16xi1>
      %and3A_1221 = arith.andi %and3A_1195, %not3A_1220 : vector<16xi1>
      %gt3A_1222 = arith.cmpf ogt, %gather3A_1181, %while3A_1168 : vector<16xf32>
      %and3A_1223 = arith.andi %and3A_1197, %gt3A_1222 : vector<16xi1>
      %select_n3A_1224 = arith.select %and3A_1223, %gather3A_1181, %while3A_1168 : vector<16xi1>, vector<16xf32>
      %select_n3A_1225 = arith.select %and3A_1221, %gather3A_1181, %select_n3A_1224 : vector<16xi1>, vector<16xf32>
      %select_n3A_1226 = arith.select %and3A_1223, %add3A_1188, %while3A_1169 : vector<16xi1>, vector<16xi32>
      %select_n3A_1227 = arith.select %and3A_1221, %add3A_1188, %select_n3A_1226 : vector<16xi1>, vector<16xi32>
      %select_n3A_1228 = arith.select %and3A_1221, %add3A_1188, %while3A_1170 : vector<16xi1>, vector<16xi32>
      %jit3A_1229 = arith.constant -1 : i32
      %broadcast_in_dim3A_1230 = vector.broadcast %jit3A_1229 : i32 to vector<16xi32>
      %select_n3A_1231 = arith.select %and3A_1195, %select_n3A_1186, %broadcast_in_dim3A_1230 : vector<16xi1>, vector<16xi32>
      scf.yield %select_n3A_1231, %and3A_1195, %select_n3A_1225, %select_n3A_1227, %select_n3A_1228, %select_n3A_1204, %select_n3A_1205, %select_n3A_1206, %select_n3A_1207, %or3A_1218 : vector<16xi32>, vector<16xi1>, vector<16xf32>, vector<16xi32>, vector<16xi32>, vector<16xi32>, vector<16xf32>, vector<16xi32>, vector<16xi32>, vector<16xi1>
    }
    %while3A_292 = arith.constant 1 : i32
    %while3A_293:10 = scf.for %while3A_1165 = %while3A_289 to %while3A_285 step %while3A_292 iter_args(%while3A_1166 = %while3A_291#0, %while3A_1167 = %while3A_291#1, %while3A_1168 = %while3A_291#2, %while3A_1169 = %while3A_291#3, %while3A_1170 = %while3A_291#4, %while3A_1171 = %while3A_291#5, %while3A_1172 = %while3A_291#6, %while3A_1173 = %while3A_291#7, %while3A_1174 = %while3A_291#8, %while3A_1175 = %while3A_291#9) -> (vector<16xi32>, vector<16xi1>, vector<16xf32>, vector<16xi32>, vector<16xi32>, vector<16xi32>, vector<16xf32>, vector<16xi32>, vector<16xi32>, vector<16xi1>)  : i32 {
      %add3A_1176 = vector.broadcast %while3A_1165 : i32 to vector<16xi32>
      %add3A_1177 = arith.addi %add3A_266, %add3A_1176 : vector<16xi32>
      %min3A_1178 = vector.broadcast %max3A_274 : i32 to vector<16xi32>
      %min3A_1179 = arith.minsi %add3A_1177, %min3A_1178 : vector<16xi32>
      %gather3A_1180 = tpu.vector_load_idx %arg6[%min3A_1179] : memref<32768xi32, #tpu.memory_space<vmem>>[vector<16xi32>], vector<16xi32>,
      %gather3A_1181 = tpu.vector_load_idx %arg5[%min3A_1179] : memref<32768xf32, #tpu.memory_space<vmem>>[vector<16xi32>], vector<16xf32>,
      %le3A_1182 = vector.broadcast %max3A_274 : i32 to vector<16xi32>
      %le3A_1183 = arith.cmpi sle, %add3A_1177, %le3A_1182 : vector<16xi32>
      %jit3A_1184 = arith.constant -1 : i32
      %broadcast_in_dim3A_1185 = vector.broadcast %jit3A_1184 : i32 to vector<16xi32>
      %select_n3A_1186 = arith.select %le3A_1183, %gather3A_1180, %broadcast_in_dim3A_1185 : vector<16xi1>, vector<16xi32>
      %add3A_1187 = vector.broadcast %while3A_1165 : i32 to vector<16xi32>
      %add3A_1188 = arith.addi %add3A_270, %add3A_1187 : vector<16xi32>
      %ge3A_1189 = vector.broadcast %mul3A_2 : i32 to vector<16xi32>
      %ge3A_1190 = arith.cmpi sge, %select_n3A_1186, %ge3A_1189 : vector<16xi32>
      %add3A_1191 = arith.constant 32 : i32
      %add3A_1192 = arith.addi %mul3A_2, %add3A_1191 : i32
      %lt3A_1193 = vector.broadcast %add3A_1192 : i32 to vector<16xi32>
      %lt3A_1194 = arith.cmpi slt, %select_n3A_1186, %lt3A_1193 : vector<16xi32>
      %and3A_1195 = arith.andi %ge3A_1190, %lt3A_1194 : vector<16xi1>
      %eq3A_1196 = arith.cmpi eq, %select_n3A_1186, %while3A_1166 : vector<16xi32>
      %and3A_1197 = arith.andi %while3A_1167, %eq3A_1196 : vector<16xi1>
      %eq3A_1198 = arith.cmpi eq, %select_n3A_1186, %while3A_1166 : vector<16xi32>
      %not3A = arith.constant dense<true> : vector<16xi1>
      %not3A_1199 = arith.xori %eq3A_1198, %not3A : vector<16xi1>
      %and3A_1200 = arith.andi %while3A_1167, %not3A_1199 : vector<16xi1>
      %not3A_1201 = arith.constant dense<true> : vector<16xi1>
      %not3A_1202 = arith.xori %while3A_1175, %not3A_1201 : vector<16xi1>
      %and3A_1203 = arith.andi %and3A_1200, %not3A_1202 : vector<16xi1>
      %select_n3A_1204 = arith.select %and3A_1203, %while3A_1166, %while3A_1171 : vector<16xi1>, vector<16xi32>
      %select_n3A_1205 = arith.select %and3A_1203, %while3A_1168, %while3A_1172 : vector<16xi1>, vector<16xf32>
      %select_n3A_1206 = arith.select %and3A_1203, %while3A_1169, %while3A_1173 : vector<16xi1>, vector<16xi32>
      %select_n3A_1207 = arith.select %and3A_1203, %while3A_1170, %while3A_1174 : vector<16xi1>, vector<16xi32>
      %and3A_1208 = arith.andi %and3A_1200, %while3A_1175 : vector<16xi1>
      %sub3A_1209 = vector.broadcast %mul3A_2 : i32 to vector<16xi32>
      %sub3A_1210 = arith.subi %while3A_1166, %sub3A_1209 : vector<16xi32>
      %jit3A_1211 = arith.constant 0 : i32
      %jit3A_1212 = arith.constant 31 : i32
      %max3A_1213 = vector.broadcast %jit3A_1211 : i32 to vector<16xi32>
      %max3A_1214 = arith.maxsi %max3A_1213, %sub3A_1210 : vector<16xi32>
      %min3A_1215 = vector.broadcast %jit3A_1212 : i32 to vector<16xi32>
      %min3A_1216 = arith.minsi %min3A_1215, %max3A_1214 : vector<16xi32>
      %sub3A_1217 = arith.subi %while3A_1169, %while3A_1170 : vector<16xi32>
      tpu.vector_store_idx %arg9[%min3A_1216], %sub3A_1217 masked %and3A_1208 : memref<32xi32, #tpu.memory_space<vmem>>[vector<16xi32>], vector<16xi32>, vector<16xi1>
      %or3A_1218 = arith.ori %while3A_1175, %and3A_1200 : vector<16xi1>
      %not3A_1219 = arith.constant dense<true> : vector<16xi1>
      %not3A_1220 = arith.xori %and3A_1197, %not3A_1219 : vector<16xi1>
      %and3A_1221 = arith.andi %and3A_1195, %not3A_1220 : vector<16xi1>
      %gt3A_1222 = arith.cmpf ogt, %gather3A_1181, %while3A_1168 : vector<16xf32>
      %and3A_1223 = arith.andi %and3A_1197, %gt3A_1222 : vector<16xi1>
      %select_n3A_1224 = arith.select %and3A_1223, %gather3A_1181, %while3A_1168 : vector<16xi1>, vector<16xf32>
      %select_n3A_1225 = arith.select %and3A_1221, %gather3A_1181, %select_n3A_1224 : vector<16xi1>, vector<16xf32>
      %select_n3A_1226 = arith.select %and3A_1223, %add3A_1188, %while3A_1169 : vector<16xi1>, vector<16xi32>
      %select_n3A_1227 = arith.select %and3A_1221, %add3A_1188, %select_n3A_1226 : vector<16xi1>, vector<16xi32>
      %select_n3A_1228 = arith.select %and3A_1221, %add3A_1188, %while3A_1170 : vector<16xi1>, vector<16xi32>
      %jit3A_1229 = arith.constant -1 : i32
      %broadcast_in_dim3A_1230 = vector.broadcast %jit3A_1229 : i32 to vector<16xi32>
      %select_n3A_1231 = arith.select %and3A_1195, %select_n3A_1186, %broadcast_in_dim3A_1230 : vector<16xi1>, vector<16xi32>
      scf.yield %select_n3A_1231, %and3A_1195, %select_n3A_1225, %select_n3A_1227, %select_n3A_1228, %select_n3A_1204, %select_n3A_1205, %select_n3A_1206, %select_n3A_1207, %or3A_1218 : vector<16xi32>, vector<16xi1>, vector<16xf32>, vector<16xi32>, vector<16xi32>, vector<16xi32>, vector<16xf32>, vector<16xi32>, vector<16xi32>, vector<16xi1>
    }
    %jit3A_294 = arith.constant -1 : i32
    %broadcast_in_dim3A_295 = vector.broadcast %jit3A_294 : i32 to vector<16xi32>
    %select_n3A_296 = arith.select %while3A_293#1, %while3A_293#0, %broadcast_in_dim3A_295 : vector<16xi1>, vector<16xi32>
    %select_n3A_297 = arith.select %while3A_293#9, %while3A_293#5, %select_n3A_296 : vector<16xi1>, vector<16xi32>
    %jit3A_298 = arith.constant 0xFF800000 : f32
    %broadcast_in_dim3A_299 = vector.broadcast %jit3A_298 : f32 to vector<16xf32>
    %select_n3A_300 = arith.select %while3A_293#9, %while3A_293#6, %broadcast_in_dim3A_299 : vector<16xi1>, vector<16xf32>
    %jit3A_301 = arith.constant -1 : i32
    %broadcast_in_dim3A_302 = vector.broadcast %jit3A_301 : i32 to vector<16xi32>
    %select_n3A_303 = arith.select %while3A_293#9, %while3A_293#7, %broadcast_in_dim3A_302 : vector<16xi1>, vector<16xi32>
    %jit3A_304 = arith.constant 1073741824 : i32
    %broadcast_in_dim3A_305 = vector.broadcast %jit3A_304 : i32 to vector<16xi32>
    %select_n3A_306 = arith.select %while3A_293#9, %while3A_293#8, %broadcast_in_dim3A_305 : vector<16xi1>, vector<16xi32>
    %jit3A_307 = arith.constant -1 : i32
    %broadcast_in_dim3A_308 = vector.broadcast %jit3A_307 : i32 to vector<16xi32>
    %select_n3A_309 = arith.select %while3A_293#9, %while3A_293#5, %broadcast_in_dim3A_308 : vector<16xi1>, vector<16xi32>
    %select_n3A_310 = arith.select %while3A_293#1, %while3A_293#0, %select_n3A_309 : vector<16xi1>, vector<16xi32>
    %jit3A_311 = arith.constant 0xFF800000 : f32
    %broadcast_in_dim3A_312 = vector.broadcast %jit3A_311 : f32 to vector<16xf32>
    %select_n3A_313 = arith.select %while3A_293#1, %while3A_293#2, %broadcast_in_dim3A_312 : vector<16xi1>, vector<16xf32>
    %jit3A_314 = arith.constant -1 : i32
    %broadcast_in_dim3A_315 = vector.broadcast %jit3A_314 : i32 to vector<16xi32>
    %select_n3A_316 = arith.select %while3A_293#1, %while3A_293#3, %broadcast_in_dim3A_315 : vector<16xi1>, vector<16xi32>
    %jit3A_317 = arith.constant 1073741824 : i32
    %broadcast_in_dim3A_318 = vector.broadcast %jit3A_317 : i32 to vector<16xi32>
    %select_n3A_319 = arith.select %while3A_293#1, %while3A_293#4, %broadcast_in_dim3A_318 : vector<16xi1>, vector<16xi32>
    %jit3A_320 = arith.constant 2 : i32
    %eq3A = arith.constant 0 : i32
    %eq3A_321 = arith.cmpi eq, %jit3A_320, %eq3A : i32
    %jit3A_322 = arith.constant 1 : i32
    %select_n3A_323 = arith.select %eq3A_321, %jit3A_322, %jit3A_320 : i32
    %rem3A_324 = vector.broadcast %select_n3A_323 : i32 to vector<16xi32>
    %rem3A_325 = arith.remsi %iota3A, %rem3A_324 : vector<16xi32>
    %ne3A_326 = arith.constant 0 : i32
    %ne3A_327 = vector.broadcast %ne3A_326 : i32 to vector<16xi32>
    %ne3A_328 = arith.cmpi ne, %rem3A_325, %ne3A_327 : vector<16xi32>
    %lt3A_329 = arith.constant 0 : i32
    %lt3A_330 = vector.broadcast %lt3A_329 : i32 to vector<16xi32>
    %lt3A_331 = arith.cmpi slt, %rem3A_325, %lt3A_330 : vector<16xi32>
    %lt3A_332 = arith.constant 0 : i32
    %lt3A_333 = arith.cmpi slt, %select_n3A_323, %lt3A_332 : i32
    %ne3A_334 = vector.broadcast %lt3A_333 : i1 to vector<16xi1>
    %ne3A_335 = vector.broadcast %ne3A_334 : vector<16xi1> to vector<16xi1>
    %ne3A_336 = arith.xori %lt3A_331, %ne3A_335 : vector<16xi1>
    %and3A_337 = arith.andi %ne3A_336, %ne3A_328 : vector<16xi1>
    %add3A_338 = vector.broadcast %select_n3A_323 : i32 to vector<16xi32>
    %add3A_339 = arith.addi %rem3A_325, %add3A_338 : vector<16xi32>
    %select_n3A_340 = arith.select %and3A_337, %add3A_339, %rem3A_325 : vector<16xi1>, vector<16xi32>
    %eq3A_341 = arith.constant 0 : i32
    %eq3A_342 = vector.broadcast %eq3A_341 : i32 to vector<16xi32>
    %eq3A_343 = arith.cmpi eq, %select_n3A_340, %eq3A_342 : vector<16xi32>
    %jit3A_344 = arith.constant 2 : i32
    %div3A_345 = vector.broadcast %jit3A_344 : i32 to vector<16xi32>
    %div3A_346 = arith.divsi %iota3A, %div3A_345 : vector<16xi32>
    %sign3A_347 = arith.constant 0 : i32
    %sign3A_348 = vector.broadcast %sign3A_347 : i32 to vector<16xi32>
    %sign3A_349 = arith.cmpi sgt, %iota3A, %sign3A_348 : vector<16xi32>
    %sign3A_350 = arith.extui %sign3A_349 : vector<16xi1> to vector<16xi32>
    %sign3A_351 = arith.constant 0 : i32
    %sign3A_352 = vector.broadcast %sign3A_351 : i32 to vector<16xi32>
    %sign3A_353 = arith.cmpi slt, %iota3A, %sign3A_352 : vector<16xi32>
    %sign3A_354 = arith.extui %sign3A_353 : vector<16xi1> to vector<16xi32>
    %sign3A_355 = arith.subi %sign3A_350, %sign3A_354 : vector<16xi32>
    %sign3A_356 = arith.constant 0 : i32
    %sign3A_357 = arith.cmpi sgt, %jit3A_344, %sign3A_356 : i32
    %sign3A_358 = arith.extui %sign3A_357 : i1 to i32
    %sign3A_359 = arith.constant 0 : i32
    %sign3A_360 = arith.cmpi slt, %jit3A_344, %sign3A_359 : i32
    %sign3A_361 = arith.extui %sign3A_360 : i1 to i32
    %sign3A_362 = arith.subi %sign3A_358, %sign3A_361 : i32
    %ne3A_363 = vector.broadcast %sign3A_362 : i32 to vector<16xi32>
    %ne3A_364 = arith.cmpi ne, %sign3A_355, %ne3A_363 : vector<16xi32>
    %rem3A_365 = vector.broadcast %jit3A_344 : i32 to vector<16xi32>
    %rem3A_366 = arith.remsi %iota3A, %rem3A_365 : vector<16xi32>
    %ne3A_367 = arith.constant 0 : i32
    %ne3A_368 = vector.broadcast %ne3A_367 : i32 to vector<16xi32>
    %ne3A_369 = arith.cmpi ne, %rem3A_366, %ne3A_368 : vector<16xi32>
    %and3A_370 = arith.andi %ne3A_364, %ne3A_369 : vector<16xi1>
    %sub3A_371 = arith.constant 1 : i32
    %sub3A_372 = vector.broadcast %sub3A_371 : i32 to vector<16xi32>
    %sub3A_373 = arith.subi %div3A_346, %sub3A_372 : vector<16xi32>
    %select_n3A_374 = arith.select %and3A_370, %sub3A_373, %div3A_346 : vector<16xi1>, vector<16xi32>
    %add3A_375 = arith.constant 0 : i32
    %add3A_376 = vector.broadcast %add3A_375 : i32 to vector<16xi32>
    %add3A_377 = arith.addi %select_n3A_374, %add3A_376 : vector<16xi32>
    %lt3A_378 = arith.constant 0 : i32
    %lt3A_379 = vector.broadcast %lt3A_378 : i32 to vector<16xi32>
    %lt3A_380 = arith.cmpi slt, %add3A_377, %lt3A_379 : vector<16xi32>
    %add3A_381 = arith.constant 16 : i32
    %add3A_382 = vector.broadcast %add3A_381 : i32 to vector<16xi32>
    %add3A_383 = arith.addi %add3A_377, %add3A_382 : vector<16xi32>
    %select_n3A_384 = arith.select %lt3A_380, %add3A_383, %add3A_377 : vector<16xi1>, vector<16xi32>
    %broadcast_in_dim3A_385 = vector.shape_cast %select_n3A_384 : vector<16xi32> to vector<16x1xi32>
    %gather3A = vector.shape_cast %broadcast_in_dim3A_385 : vector<16x1xi32> to vector<16xi32>
    %gather3A_386 = tpu.dynamic_gather %select_n3A_297[%gather3A] in [0] : vector<16xi32>, vector<16xi32> -> vector<16xi32>
    %lt3A_387 = arith.constant 0 : i32
    %lt3A_388 = vector.broadcast %lt3A_387 : i32 to vector<16xi32>
    %lt3A_389 = arith.cmpi slt, %add3A_377, %lt3A_388 : vector<16xi32>
    %add3A_390 = arith.constant 16 : i32
    %add3A_391 = vector.broadcast %add3A_390 : i32 to vector<16xi32>
    %add3A_392 = arith.addi %add3A_377, %add3A_391 : vector<16xi32>
    %select_n3A_393 = arith.select %lt3A_389, %add3A_392, %add3A_377 : vector<16xi1>, vector<16xi32>
    %broadcast_in_dim3A_394 = vector.shape_cast %select_n3A_393 : vector<16xi32> to vector<16x1xi32>
    %gather3A_395 = vector.shape_cast %broadcast_in_dim3A_394 : vector<16x1xi32> to vector<16xi32>
    %gather3A_396 = tpu.dynamic_gather %select_n3A_310[%gather3A_395] in [0] : vector<16xi32>, vector<16xi32> -> vector<16xi32>
    %select_n3A_397 = arith.select %eq3A_343, %gather3A_386, %gather3A_396 : vector<16xi1>, vector<16xi32>
    %lt3A_398 = arith.constant 0 : i32
    %lt3A_399 = vector.broadcast %lt3A_398 : i32 to vector<16xi32>
    %lt3A_400 = arith.cmpi slt, %add3A_377, %lt3A_399 : vector<16xi32>
    %add3A_401 = arith.constant 16 : i32
    %add3A_402 = vector.broadcast %add3A_401 : i32 to vector<16xi32>
    %add3A_403 = arith.addi %add3A_377, %add3A_402 : vector<16xi32>
    %select_n3A_404 = arith.select %lt3A_400, %add3A_403, %add3A_377 : vector<16xi1>, vector<16xi32>
    %broadcast_in_dim3A_405 = vector.shape_cast %select_n3A_404 : vector<16xi32> to vector<16x1xi32>
    %gather3A_406 = vector.shape_cast %broadcast_in_dim3A_405 : vector<16x1xi32> to vector<16xi32>
    %gather3A_407 = tpu.dynamic_gather %select_n3A_300[%gather3A_406] in [0] : vector<16xf32>, vector<16xi32> -> vector<16xf32>
    %lt3A_408 = arith.constant 0 : i32
    %lt3A_409 = vector.broadcast %lt3A_408 : i32 to vector<16xi32>
    %lt3A_410 = arith.cmpi slt, %add3A_377, %lt3A_409 : vector<16xi32>
    %add3A_411 = arith.constant 16 : i32
    %add3A_412 = vector.broadcast %add3A_411 : i32 to vector<16xi32>
    %add3A_413 = arith.addi %add3A_377, %add3A_412 : vector<16xi32>
    %select_n3A_414 = arith.select %lt3A_410, %add3A_413, %add3A_377 : vector<16xi1>, vector<16xi32>
    %broadcast_in_dim3A_415 = vector.shape_cast %select_n3A_414 : vector<16xi32> to vector<16x1xi32>
    %gather3A_416 = vector.shape_cast %broadcast_in_dim3A_415 : vector<16x1xi32> to vector<16xi32>
    %gather3A_417 = tpu.dynamic_gather %select_n3A_313[%gather3A_416] in [0] : vector<16xf32>, vector<16xi32> -> vector<16xf32>
    %select_n3A_418 = arith.select %eq3A_343, %gather3A_407, %gather3A_417 : vector<16xi1>, vector<16xf32>
    %lt3A_419 = arith.constant 0 : i32
    %lt3A_420 = vector.broadcast %lt3A_419 : i32 to vector<16xi32>
    %lt3A_421 = arith.cmpi slt, %add3A_377, %lt3A_420 : vector<16xi32>
    %add3A_422 = arith.constant 16 : i32
    %add3A_423 = vector.broadcast %add3A_422 : i32 to vector<16xi32>
    %add3A_424 = arith.addi %add3A_377, %add3A_423 : vector<16xi32>
    %select_n3A_425 = arith.select %lt3A_421, %add3A_424, %add3A_377 : vector<16xi1>, vector<16xi32>
    %broadcast_in_dim3A_426 = vector.shape_cast %select_n3A_425 : vector<16xi32> to vector<16x1xi32>
    %gather3A_427 = vector.shape_cast %broadcast_in_dim3A_426 : vector<16x1xi32> to vector<16xi32>
    %gather3A_428 = tpu.dynamic_gather %select_n3A_303[%gather3A_427] in [0] : vector<16xi32>, vector<16xi32> -> vector<16xi32>
    %lt3A_429 = arith.constant 0 : i32
    %lt3A_430 = vector.broadcast %lt3A_429 : i32 to vector<16xi32>
    %lt3A_431 = arith.cmpi slt, %add3A_377, %lt3A_430 : vector<16xi32>
    %add3A_432 = arith.constant 16 : i32
    %add3A_433 = vector.broadcast %add3A_432 : i32 to vector<16xi32>
    %add3A_434 = arith.addi %add3A_377, %add3A_433 : vector<16xi32>
    %select_n3A_435 = arith.select %lt3A_431, %add3A_434, %add3A_377 : vector<16xi1>, vector<16xi32>
    %broadcast_in_dim3A_436 = vector.shape_cast %select_n3A_435 : vector<16xi32> to vector<16x1xi32>
    %gather3A_437 = vector.shape_cast %broadcast_in_dim3A_436 : vector<16x1xi32> to vector<16xi32>
    %gather3A_438 = tpu.dynamic_gather %select_n3A_316[%gather3A_437] in [0] : vector<16xi32>, vector<16xi32> -> vector<16xi32>
    %select_n3A_439 = arith.select %eq3A_343, %gather3A_428, %gather3A_438 : vector<16xi1>, vector<16xi32>
    %lt3A_440 = arith.constant 0 : i32
    %lt3A_441 = vector.broadcast %lt3A_440 : i32 to vector<16xi32>
    %lt3A_442 = arith.cmpi slt, %add3A_377, %lt3A_441 : vector<16xi32>
    %add3A_443 = arith.constant 16 : i32
    %add3A_444 = vector.broadcast %add3A_443 : i32 to vector<16xi32>
    %add3A_445 = arith.addi %add3A_377, %add3A_444 : vector<16xi32>
    %select_n3A_446 = arith.select %lt3A_442, %add3A_445, %add3A_377 : vector<16xi1>, vector<16xi32>
    %broadcast_in_dim3A_447 = vector.shape_cast %select_n3A_446 : vector<16xi32> to vector<16x1xi32>
    %gather3A_448 = vector.shape_cast %broadcast_in_dim3A_447 : vector<16x1xi32> to vector<16xi32>
    %gather3A_449 = tpu.dynamic_gather %select_n3A_306[%gather3A_448] in [0] : vector<16xi32>, vector<16xi32> -> vector<16xi32>
    %lt3A_450 = arith.constant 0 : i32
    %lt3A_451 = vector.broadcast %lt3A_450 : i32 to vector<16xi32>
    %lt3A_452 = arith.cmpi slt, %add3A_377, %lt3A_451 : vector<16xi32>
    %add3A_453 = arith.constant 16 : i32
    %add3A_454 = vector.broadcast %add3A_453 : i32 to vector<16xi32>
    %add3A_455 = arith.addi %add3A_377, %add3A_454 : vector<16xi32>
    %select_n3A_456 = arith.select %lt3A_452, %add3A_455, %add3A_377 : vector<16xi1>, vector<16xi32>
    %broadcast_in_dim3A_457 = vector.shape_cast %select_n3A_456 : vector<16xi32> to vector<16x1xi32>
    %gather3A_458 = vector.shape_cast %broadcast_in_dim3A_457 : vector<16x1xi32> to vector<16xi32>
    %gather3A_459 = tpu.dynamic_gather %select_n3A_319[%gather3A_458] in [0] : vector<16xi32>, vector<16xi32> -> vector<16xi32>
    %select_n3A_460 = arith.select %eq3A_343, %gather3A_449, %gather3A_459 : vector<16xi1>, vector<16xi32>
    %sub3A_461 = arith.constant 1 : i32
    %sub3A_462 = vector.broadcast %sub3A_461 : i32 to vector<16xi32>
    %sub3A_463 = arith.subi %iota3A, %sub3A_462 : vector<16xi32>
    %max3A_464 = arith.constant 0 : i32
    %max3A_465 = vector.broadcast %max3A_464 : i32 to vector<16xi32>
    %max3A_466 = arith.maxsi %sub3A_463, %max3A_465 : vector<16xi32>
    %lt3A_467 = arith.constant 0 : i32
    %lt3A_468 = vector.broadcast %lt3A_467 : i32 to vector<16xi32>
    %lt3A_469 = arith.cmpi slt, %max3A_466, %lt3A_468 : vector<16xi32>
    %add3A_470 = arith.constant 16 : i32
    %add3A_471 = vector.broadcast %add3A_470 : i32 to vector<16xi32>
    %add3A_472 = arith.addi %max3A_466, %add3A_471 : vector<16xi32>
    %select_n3A_473 = arith.select %lt3A_469, %add3A_472, %max3A_466 : vector<16xi1>, vector<16xi32>
    %broadcast_in_dim3A_474 = vector.shape_cast %select_n3A_473 : vector<16xi32> to vector<16x1xi32>
    %gather3A_475 = vector.shape_cast %broadcast_in_dim3A_474 : vector<16x1xi32> to vector<16xi32>
    %gather3A_476 = tpu.dynamic_gather %select_n3A_397[%gather3A_475] in [0] : vector<16xi32>, vector<16xi32> -> vector<16xi32>
    %eq3A_477 = arith.cmpi eq, %gather3A_476, %select_n3A_397 : vector<16xi32>
    %ge3A_478 = arith.constant 1 : i32
    %ge3A_479 = vector.broadcast %ge3A_478 : i32 to vector<16xi32>
    %ge3A_480 = arith.cmpi sge, %iota3A, %ge3A_479 : vector<16xi32>
    %and3A_481 = arith.andi %eq3A_477, %ge3A_480 : vector<16xi1>
    %lt3A_482 = arith.constant 0 : i32
    %lt3A_483 = vector.broadcast %lt3A_482 : i32 to vector<16xi32>
    %lt3A_484 = arith.cmpi slt, %max3A_466, %lt3A_483 : vector<16xi32>
    %add3A_485 = arith.constant 16 : i32
    %add3A_486 = vector.broadcast %add3A_485 : i32 to vector<16xi32>
    %add3A_487 = arith.addi %max3A_466, %add3A_486 : vector<16xi32>
    %select_n3A_488 = arith.select %lt3A_484, %add3A_487, %max3A_466 : vector<16xi1>, vector<16xi32>
    %broadcast_in_dim3A_489 = vector.shape_cast %select_n3A_488 : vector<16xi32> to vector<16x1xi32>
    %gather3A_490 = vector.shape_cast %broadcast_in_dim3A_489 : vector<16x1xi32> to vector<16xi32>
    %gather3A_491 = tpu.dynamic_gather %select_n3A_418[%gather3A_490] in [0] : vector<16xf32>, vector<16xi32> -> vector<16xf32>
    %lt3A_492 = arith.constant 0 : i32
    %lt3A_493 = vector.broadcast %lt3A_492 : i32 to vector<16xi32>
    %lt3A_494 = arith.cmpi slt, %max3A_466, %lt3A_493 : vector<16xi32>
    %add3A_495 = arith.constant 16 : i32
    %add3A_496 = vector.broadcast %add3A_495 : i32 to vector<16xi32>
    %add3A_497 = arith.addi %max3A_466, %add3A_496 : vector<16xi32>
    %select_n3A_498 = arith.select %lt3A_494, %add3A_497, %max3A_466 : vector<16xi1>, vector<16xi32>
    %broadcast_in_dim3A_499 = vector.shape_cast %select_n3A_498 : vector<16xi32> to vector<16x1xi32>
    %gather3A_500 = vector.shape_cast %broadcast_in_dim3A_499 : vector<16x1xi32> to vector<16xi32>
    %gather3A_501 = tpu.dynamic_gather %select_n3A_439[%gather3A_500] in [0] : vector<16xi32>, vector<16xi32> -> vector<16xi32>
    %lt3A_502 = arith.constant 0 : i32
    %lt3A_503 = vector.broadcast %lt3A_502 : i32 to vector<16xi32>
    %lt3A_504 = arith.cmpi slt, %max3A_466, %lt3A_503 : vector<16xi32>
    %add3A_505 = arith.constant 16 : i32
    %add3A_506 = vector.broadcast %add3A_505 : i32 to vector<16xi32>
    %add3A_507 = arith.addi %max3A_466, %add3A_506 : vector<16xi32>
    %select_n3A_508 = arith.select %lt3A_504, %add3A_507, %max3A_466 : vector<16xi1>, vector<16xi32>
    %broadcast_in_dim3A_509 = vector.shape_cast %select_n3A_508 : vector<16xi32> to vector<16x1xi32>
    %gather3A_510 = vector.shape_cast %broadcast_in_dim3A_509 : vector<16x1xi32> to vector<16xi32>
    %gather3A_511 = tpu.dynamic_gather %select_n3A_460[%gather3A_510] in [0] : vector<16xi32>, vector<16xi32> -> vector<16xi32>
    %gt3A_512 = arith.cmpf ogt, %select_n3A_418, %gather3A_491 : vector<16xf32>
    %select_n3A_513 = arith.select %gt3A_512, %select_n3A_418, %gather3A_491 : vector<16xi1>, vector<16xf32>
    %select_n3A_514 = arith.select %and3A_481, %select_n3A_513, %select_n3A_418 : vector<16xi1>, vector<16xf32>
    %select_n3A_515 = arith.select %gt3A_512, %select_n3A_439, %gather3A_501 : vector<16xi1>, vector<16xi32>
    %select_n3A_516 = arith.select %and3A_481, %select_n3A_515, %select_n3A_439 : vector<16xi1>, vector<16xi32>
    %min3A_517 = arith.minsi %select_n3A_460, %gather3A_511 : vector<16xi32>
    %select_n3A_518 = arith.select %and3A_481, %min3A_517, %select_n3A_460 : vector<16xi1>, vector<16xi32>
    %sub3A_519 = arith.constant 2 : i32
    %sub3A_520 = vector.broadcast %sub3A_519 : i32 to vector<16xi32>
    %sub3A_521 = arith.subi %iota3A, %sub3A_520 : vector<16xi32>
    %max3A_522 = arith.constant 0 : i32
    %max3A_523 = vector.broadcast %max3A_522 : i32 to vector<16xi32>
    %max3A_524 = arith.maxsi %sub3A_521, %max3A_523 : vector<16xi32>
    %lt3A_525 = arith.constant 0 : i32
    %lt3A_526 = vector.broadcast %lt3A_525 : i32 to vector<16xi32>
    %lt3A_527 = arith.cmpi slt, %max3A_524, %lt3A_526 : vector<16xi32>
    %add3A_528 = arith.constant 16 : i32
    %add3A_529 = vector.broadcast %add3A_528 : i32 to vector<16xi32>
    %add3A_530 = arith.addi %max3A_524, %add3A_529 : vector<16xi32>
    %select_n3A_531 = arith.select %lt3A_527, %add3A_530, %max3A_524 : vector<16xi1>, vector<16xi32>
    %broadcast_in_dim3A_532 = vector.shape_cast %select_n3A_531 : vector<16xi32> to vector<16x1xi32>
    %gather3A_533 = vector.shape_cast %broadcast_in_dim3A_532 : vector<16x1xi32> to vector<16xi32>
    %gather3A_534 = tpu.dynamic_gather %select_n3A_397[%gather3A_533] in [0] : vector<16xi32>, vector<16xi32> -> vector<16xi32>
    %eq3A_535 = arith.cmpi eq, %gather3A_534, %select_n3A_397 : vector<16xi32>
    %ge3A_536 = arith.constant 2 : i32
    %ge3A_537 = vector.broadcast %ge3A_536 : i32 to vector<16xi32>
    %ge3A_538 = arith.cmpi sge, %iota3A, %ge3A_537 : vector<16xi32>
    %and3A_539 = arith.andi %eq3A_535, %ge3A_538 : vector<16xi1>
    %lt3A_540 = arith.constant 0 : i32
    %lt3A_541 = vector.broadcast %lt3A_540 : i32 to vector<16xi32>
    %lt3A_542 = arith.cmpi slt, %max3A_524, %lt3A_541 : vector<16xi32>
    %add3A_543 = arith.constant 16 : i32
    %add3A_544 = vector.broadcast %add3A_543 : i32 to vector<16xi32>
    %add3A_545 = arith.addi %max3A_524, %add3A_544 : vector<16xi32>
    %select_n3A_546 = arith.select %lt3A_542, %add3A_545, %max3A_524 : vector<16xi1>, vector<16xi32>
    %broadcast_in_dim3A_547 = vector.shape_cast %select_n3A_546 : vector<16xi32> to vector<16x1xi32>
    %gather3A_548 = vector.shape_cast %broadcast_in_dim3A_547 : vector<16x1xi32> to vector<16xi32>
    %gather3A_549 = tpu.dynamic_gather %select_n3A_514[%gather3A_548] in [0] : vector<16xf32>, vector<16xi32> -> vector<16xf32>
    %lt3A_550 = arith.constant 0 : i32
    %lt3A_551 = vector.broadcast %lt3A_550 : i32 to vector<16xi32>
    %lt3A_552 = arith.cmpi slt, %max3A_524, %lt3A_551 : vector<16xi32>
    %add3A_553 = arith.constant 16 : i32
    %add3A_554 = vector.broadcast %add3A_553 : i32 to vector<16xi32>
    %add3A_555 = arith.addi %max3A_524, %add3A_554 : vector<16xi32>
    %select_n3A_556 = arith.select %lt3A_552, %add3A_555, %max3A_524 : vector<16xi1>, vector<16xi32>
    %broadcast_in_dim3A_557 = vector.shape_cast %select_n3A_556 : vector<16xi32> to vector<16x1xi32>
    %gather3A_558 = vector.shape_cast %broadcast_in_dim3A_557 : vector<16x1xi32> to vector<16xi32>
    %gather3A_559 = tpu.dynamic_gather %select_n3A_516[%gather3A_558] in [0] : vector<16xi32>, vector<16xi32> -> vector<16xi32>
    %lt3A_560 = arith.constant 0 : i32
    %lt3A_561 = vector.broadcast %lt3A_560 : i32 to vector<16xi32>
    %lt3A_562 = arith.cmpi slt, %max3A_524, %lt3A_561 : vector<16xi32>
    %add3A_563 = arith.constant 16 : i32
    %add3A_564 = vector.broadcast %add3A_563 : i32 to vector<16xi32>
    %add3A_565 = arith.addi %max3A_524, %add3A_564 : vector<16xi32>
    %select_n3A_566 = arith.select %lt3A_562, %add3A_565, %max3A_524 : vector<16xi1>, vector<16xi32>
    %broadcast_in_dim3A_567 = vector.shape_cast %select_n3A_566 : vector<16xi32> to vector<16x1xi32>
    %gather3A_568 = vector.shape_cast %broadcast_in_dim3A_567 : vector<16x1xi32> to vector<16xi32>
    %gather3A_569 = tpu.dynamic_gather %select_n3A_518[%gather3A_568] in [0] : vector<16xi32>, vector<16xi32> -> vector<16xi32>
    %gt3A_570 = arith.cmpf ogt, %select_n3A_514, %gather3A_549 : vector<16xf32>
    %select_n3A_571 = arith.select %gt3A_570, %select_n3A_514, %gather3A_549 : vector<16xi1>, vector<16xf32>
    %select_n3A_572 = arith.select %and3A_539, %select_n3A_571, %select_n3A_514 : vector<16xi1>, vector<16xf32>
    %select_n3A_573 = arith.select %gt3A_570, %select_n3A_516, %gather3A_559 : vector<16xi1>, vector<16xi32>
    %select_n3A_574 = arith.select %and3A_539, %select_n3A_573, %select_n3A_516 : vector<16xi1>, vector<16xi32>
    %min3A_575 = arith.minsi %select_n3A_518, %gather3A_569 : vector<16xi32>
    %select_n3A_576 = arith.select %and3A_539, %min3A_575, %select_n3A_518 : vector<16xi1>, vector<16xi32>
    %sub3A_577 = arith.constant 4 : i32
    %sub3A_578 = vector.broadcast %sub3A_577 : i32 to vector<16xi32>
    %sub3A_579 = arith.subi %iota3A, %sub3A_578 : vector<16xi32>
    %max3A_580 = arith.constant 0 : i32
    %max3A_581 = vector.broadcast %max3A_580 : i32 to vector<16xi32>
    %max3A_582 = arith.maxsi %sub3A_579, %max3A_581 : vector<16xi32>
    %lt3A_583 = arith.constant 0 : i32
    %lt3A_584 = vector.broadcast %lt3A_583 : i32 to vector<16xi32>
    %lt3A_585 = arith.cmpi slt, %max3A_582, %lt3A_584 : vector<16xi32>
    %add3A_586 = arith.constant 16 : i32
    %add3A_587 = vector.broadcast %add3A_586 : i32 to vector<16xi32>
    %add3A_588 = arith.addi %max3A_582, %add3A_587 : vector<16xi32>
    %select_n3A_589 = arith.select %lt3A_585, %add3A_588, %max3A_582 : vector<16xi1>, vector<16xi32>
    %broadcast_in_dim3A_590 = vector.shape_cast %select_n3A_589 : vector<16xi32> to vector<16x1xi32>
    %gather3A_591 = vector.shape_cast %broadcast_in_dim3A_590 : vector<16x1xi32> to vector<16xi32>
    %gather3A_592 = tpu.dynamic_gather %select_n3A_397[%gather3A_591] in [0] : vector<16xi32>, vector<16xi32> -> vector<16xi32>
    %eq3A_593 = arith.cmpi eq, %gather3A_592, %select_n3A_397 : vector<16xi32>
    %ge3A_594 = arith.constant 4 : i32
    %ge3A_595 = vector.broadcast %ge3A_594 : i32 to vector<16xi32>
    %ge3A_596 = arith.cmpi sge, %iota3A, %ge3A_595 : vector<16xi32>
    %and3A_597 = arith.andi %eq3A_593, %ge3A_596 : vector<16xi1>
    %lt3A_598 = arith.constant 0 : i32
    %lt3A_599 = vector.broadcast %lt3A_598 : i32 to vector<16xi32>
    %lt3A_600 = arith.cmpi slt, %max3A_582, %lt3A_599 : vector<16xi32>
    %add3A_601 = arith.constant 16 : i32
    %add3A_602 = vector.broadcast %add3A_601 : i32 to vector<16xi32>
    %add3A_603 = arith.addi %max3A_582, %add3A_602 : vector<16xi32>
    %select_n3A_604 = arith.select %lt3A_600, %add3A_603, %max3A_582 : vector<16xi1>, vector<16xi32>
    %broadcast_in_dim3A_605 = vector.shape_cast %select_n3A_604 : vector<16xi32> to vector<16x1xi32>
    %gather3A_606 = vector.shape_cast %broadcast_in_dim3A_605 : vector<16x1xi32> to vector<16xi32>
    %gather3A_607 = tpu.dynamic_gather %select_n3A_572[%gather3A_606] in [0] : vector<16xf32>, vector<16xi32> -> vector<16xf32>
    %lt3A_608 = arith.constant 0 : i32
    %lt3A_609 = vector.broadcast %lt3A_608 : i32 to vector<16xi32>
    %lt3A_610 = arith.cmpi slt, %max3A_582, %lt3A_609 : vector<16xi32>
    %add3A_611 = arith.constant 16 : i32
    %add3A_612 = vector.broadcast %add3A_611 : i32 to vector<16xi32>
    %add3A_613 = arith.addi %max3A_582, %add3A_612 : vector<16xi32>
    %select_n3A_614 = arith.select %lt3A_610, %add3A_613, %max3A_582 : vector<16xi1>, vector<16xi32>
    %broadcast_in_dim3A_615 = vector.shape_cast %select_n3A_614 : vector<16xi32> to vector<16x1xi32>
    %gather3A_616 = vector.shape_cast %broadcast_in_dim3A_615 : vector<16x1xi32> to vector<16xi32>
    %gather3A_617 = tpu.dynamic_gather %select_n3A_574[%gather3A_616] in [0] : vector<16xi32>, vector<16xi32> -> vector<16xi32>
    %lt3A_618 = arith.constant 0 : i32
    %lt3A_619 = vector.broadcast %lt3A_618 : i32 to vector<16xi32>
    %lt3A_620 = arith.cmpi slt, %max3A_582, %lt3A_619 : vector<16xi32>
    %add3A_621 = arith.constant 16 : i32
    %add3A_622 = vector.broadcast %add3A_621 : i32 to vector<16xi32>
    %add3A_623 = arith.addi %max3A_582, %add3A_622 : vector<16xi32>
    %select_n3A_624 = arith.select %lt3A_620, %add3A_623, %max3A_582 : vector<16xi1>, vector<16xi32>
    %broadcast_in_dim3A_625 = vector.shape_cast %select_n3A_624 : vector<16xi32> to vector<16x1xi32>
    %gather3A_626 = vector.shape_cast %broadcast_in_dim3A_625 : vector<16x1xi32> to vector<16xi32>
    %gather3A_627 = tpu.dynamic_gather %select_n3A_576[%gather3A_626] in [0] : vector<16xi32>, vector<16xi32> -> vector<16xi32>
    %gt3A_628 = arith.cmpf ogt, %select_n3A_572, %gather3A_607 : vector<16xf32>
    %select_n3A_629 = arith.select %gt3A_628, %select_n3A_572, %gather3A_607 : vector<16xi1>, vector<16xf32>
    %select_n3A_630 = arith.select %and3A_597, %select_n3A_629, %select_n3A_572 : vector<16xi1>, vector<16xf32>
    %select_n3A_631 = arith.select %gt3A_628, %select_n3A_574, %gather3A_617 : vector<16xi1>, vector<16xi32>
    %select_n3A_632 = arith.select %and3A_597, %select_n3A_631, %select_n3A_574 : vector<16xi1>, vector<16xi32>
    %min3A_633 = arith.minsi %select_n3A_576, %gather3A_627 : vector<16xi32>
    %select_n3A_634 = arith.select %and3A_597, %min3A_633, %select_n3A_576 : vector<16xi1>, vector<16xi32>
    %sub3A_635 = arith.constant 8 : i32
    %sub3A_636 = vector.broadcast %sub3A_635 : i32 to vector<16xi32>
    %sub3A_637 = arith.subi %iota3A, %sub3A_636 : vector<16xi32>
    %max3A_638 = arith.constant 0 : i32
    %max3A_639 = vector.broadcast %max3A_638 : i32 to vector<16xi32>
    %max3A_640 = arith.maxsi %sub3A_637, %max3A_639 : vector<16xi32>
    %lt3A_641 = arith.constant 0 : i32
    %lt3A_642 = vector.broadcast %lt3A_641 : i32 to vector<16xi32>
    %lt3A_643 = arith.cmpi slt, %max3A_640, %lt3A_642 : vector<16xi32>
    %add3A_644 = arith.constant 16 : i32
    %add3A_645 = vector.broadcast %add3A_644 : i32 to vector<16xi32>
    %add3A_646 = arith.addi %max3A_640, %add3A_645 : vector<16xi32>
    %select_n3A_647 = arith.select %lt3A_643, %add3A_646, %max3A_640 : vector<16xi1>, vector<16xi32>
    %broadcast_in_dim3A_648 = vector.shape_cast %select_n3A_647 : vector<16xi32> to vector<16x1xi32>
    %gather3A_649 = vector.shape_cast %broadcast_in_dim3A_648 : vector<16x1xi32> to vector<16xi32>
    %gather3A_650 = tpu.dynamic_gather %select_n3A_397[%gather3A_649] in [0] : vector<16xi32>, vector<16xi32> -> vector<16xi32>
    %eq3A_651 = arith.cmpi eq, %gather3A_650, %select_n3A_397 : vector<16xi32>
    %ge3A_652 = arith.constant 8 : i32
    %ge3A_653 = vector.broadcast %ge3A_652 : i32 to vector<16xi32>
    %ge3A_654 = arith.cmpi sge, %iota3A, %ge3A_653 : vector<16xi32>
    %and3A_655 = arith.andi %eq3A_651, %ge3A_654 : vector<16xi1>
    %lt3A_656 = arith.constant 0 : i32
    %lt3A_657 = vector.broadcast %lt3A_656 : i32 to vector<16xi32>
    %lt3A_658 = arith.cmpi slt, %max3A_640, %lt3A_657 : vector<16xi32>
    %add3A_659 = arith.constant 16 : i32
    %add3A_660 = vector.broadcast %add3A_659 : i32 to vector<16xi32>
    %add3A_661 = arith.addi %max3A_640, %add3A_660 : vector<16xi32>
    %select_n3A_662 = arith.select %lt3A_658, %add3A_661, %max3A_640 : vector<16xi1>, vector<16xi32>
    %broadcast_in_dim3A_663 = vector.shape_cast %select_n3A_662 : vector<16xi32> to vector<16x1xi32>
    %gather3A_664 = vector.shape_cast %broadcast_in_dim3A_663 : vector<16x1xi32> to vector<16xi32>
    %gather3A_665 = tpu.dynamic_gather %select_n3A_630[%gather3A_664] in [0] : vector<16xf32>, vector<16xi32> -> vector<16xf32>
    %lt3A_666 = arith.constant 0 : i32
    %lt3A_667 = vector.broadcast %lt3A_666 : i32 to vector<16xi32>
    %lt3A_668 = arith.cmpi slt, %max3A_640, %lt3A_667 : vector<16xi32>
    %add3A_669 = arith.constant 16 : i32
    %add3A_670 = vector.broadcast %add3A_669 : i32 to vector<16xi32>
    %add3A_671 = arith.addi %max3A_640, %add3A_670 : vector<16xi32>
    %select_n3A_672 = arith.select %lt3A_668, %add3A_671, %max3A_640 : vector<16xi1>, vector<16xi32>
    %broadcast_in_dim3A_673 = vector.shape_cast %select_n3A_672 : vector<16xi32> to vector<16x1xi32>
    %gather3A_674 = vector.shape_cast %broadcast_in_dim3A_673 : vector<16x1xi32> to vector<16xi32>
    %gather3A_675 = tpu.dynamic_gather %select_n3A_632[%gather3A_674] in [0] : vector<16xi32>, vector<16xi32> -> vector<16xi32>
    %lt3A_676 = arith.constant 0 : i32
    %lt3A_677 = vector.broadcast %lt3A_676 : i32 to vector<16xi32>
    %lt3A_678 = arith.cmpi slt, %max3A_640, %lt3A_677 : vector<16xi32>
    %add3A_679 = arith.constant 16 : i32
    %add3A_680 = vector.broadcast %add3A_679 : i32 to vector<16xi32>
    %add3A_681 = arith.addi %max3A_640, %add3A_680 : vector<16xi32>
    %select_n3A_682 = arith.select %lt3A_678, %add3A_681, %max3A_640 : vector<16xi1>, vector<16xi32>
    %broadcast_in_dim3A_683 = vector.shape_cast %select_n3A_682 : vector<16xi32> to vector<16x1xi32>
    %gather3A_684 = vector.shape_cast %broadcast_in_dim3A_683 : vector<16x1xi32> to vector<16xi32>
    %gather3A_685 = tpu.dynamic_gather %select_n3A_634[%gather3A_684] in [0] : vector<16xi32>, vector<16xi32> -> vector<16xi32>
    %gt3A_686 = arith.cmpf ogt, %select_n3A_630, %gather3A_665 : vector<16xf32>
    %select_n3A_687 = arith.select %gt3A_686, %select_n3A_630, %gather3A_665 : vector<16xi1>, vector<16xf32>
    %select_n3A_688 = arith.select %and3A_655, %select_n3A_687, %select_n3A_630 : vector<16xi1>, vector<16xf32>
    %select_n3A_689 = arith.select %gt3A_686, %select_n3A_632, %gather3A_675 : vector<16xi1>, vector<16xi32>
    %select_n3A_690 = arith.select %and3A_655, %select_n3A_689, %select_n3A_632 : vector<16xi1>, vector<16xi32>
    %min3A_691 = arith.minsi %select_n3A_634, %gather3A_685 : vector<16xi32>
    %select_n3A_692 = arith.select %and3A_655, %min3A_691, %select_n3A_634 : vector<16xi1>, vector<16xi32>
    %eq3A_693 = arith.constant -1 : i32
    %eq3A_694 = vector.broadcast %eq3A_693 : i32 to vector<16xi32>
    %eq3A_695 = arith.cmpi eq, %select_n3A_397, %eq3A_694 : vector<16xi32>
    %ge3A_696 = arith.constant 0 : i32
    %ge3A_697 = vector.broadcast %ge3A_696 : i32 to vector<16xi32>
    %ge3A_698 = arith.cmpi sge, %select_n3A_397, %ge3A_697 : vector<16xi32>
    %and3A_699 = arith.andi %eq3A_695, %ge3A_698 : vector<16xi1>
    %gt3A_700 = arith.constant 0xFF800000 : f32
    %gt3A_701 = vector.broadcast %gt3A_700 : f32 to vector<16xf32>
    %gt3A_702 = arith.cmpf ogt, %select_n3A_688, %gt3A_701 : vector<16xf32>
    %jit3A_703 = arith.constant 0xFF800000 : f32
    %broadcast_in_dim3A_704 = vector.broadcast %jit3A_703 : f32 to vector<16xf32>
    %select_n3A_705 = arith.select %gt3A_702, %select_n3A_688, %broadcast_in_dim3A_704 : vector<16xi1>, vector<16xf32>
    %select_n3A_706 = arith.select %and3A_699, %select_n3A_705, %select_n3A_688 : vector<16xi1>, vector<16xf32>
    %jit3A_707 = arith.constant -1 : i32
    %broadcast_in_dim3A_708 = vector.broadcast %jit3A_707 : i32 to vector<16xi32>
    %select_n3A_709 = arith.select %gt3A_702, %select_n3A_690, %broadcast_in_dim3A_708 : vector<16xi1>, vector<16xi32>
    %select_n3A_710 = arith.select %and3A_699, %select_n3A_709, %select_n3A_690 : vector<16xi1>, vector<16xi32>
    %min3A_711 = arith.constant 1073741824 : i32
    %min3A_712 = vector.broadcast %min3A_711 : i32 to vector<16xi32>
    %min3A_713 = arith.minsi %select_n3A_692, %min3A_712 : vector<16xi32>
    %select_n3A_714 = arith.select %and3A_699, %min3A_713, %select_n3A_692 : vector<16xi1>, vector<16xi32>
    %add3A_715 = arith.constant 1 : i32
    %add3A_716 = vector.broadcast %add3A_715 : i32 to vector<16xi32>
    %add3A_717 = arith.addi %iota3A, %add3A_716 : vector<16xi32>
    %min3A_718 = arith.constant 15 : i32
    %min3A_719 = vector.broadcast %min3A_718 : i32 to vector<16xi32>
    %min3A_720 = arith.minsi %add3A_717, %min3A_719 : vector<16xi32>
    %lt3A_721 = arith.constant 0 : i32
    %lt3A_722 = vector.broadcast %lt3A_721 : i32 to vector<16xi32>
    %lt3A_723 = arith.cmpi slt, %min3A_720, %lt3A_722 : vector<16xi32>
    %add3A_724 = arith.constant 16 : i32
    %add3A_725 = vector.broadcast %add3A_724 : i32 to vector<16xi32>
    %add3A_726 = arith.addi %min3A_720, %add3A_725 : vector<16xi32>
    %select_n3A_727 = arith.select %lt3A_723, %add3A_726, %min3A_720 : vector<16xi1>, vector<16xi32>
    %broadcast_in_dim3A_728 = vector.shape_cast %select_n3A_727 : vector<16xi32> to vector<16x1xi32>
    %gather3A_729 = vector.shape_cast %broadcast_in_dim3A_728 : vector<16x1xi32> to vector<16xi32>
    %gather3A_730 = tpu.dynamic_gather %select_n3A_397[%gather3A_729] in [0] : vector<16xi32>, vector<16xi32> -> vector<16xi32>
    %ne3A_731 = arith.cmpi ne, %gather3A_730, %select_n3A_397 : vector<16xi32>
    %eq3A_732 = arith.constant 15 : i32
    %eq3A_733 = vector.broadcast %eq3A_732 : i32 to vector<16xi32>
    %eq3A_734 = arith.cmpi eq, %iota3A, %eq3A_733 : vector<16xi32>
    %or3A = arith.ori %ne3A_731, %eq3A_734 : vector<16xi1>
    %ge3A_735 = arith.constant 0 : i32
    %ge3A_736 = vector.broadcast %ge3A_735 : i32 to vector<16xi32>
    %ge3A_737 = arith.cmpi sge, %select_n3A_397, %ge3A_736 : vector<16xi32>
    %and3A_738 = arith.andi %or3A, %ge3A_737 : vector<16xi1>
    %sub3A_739 = vector.broadcast %mul3A_2 : i32 to vector<16xi32>
    %sub3A_740 = arith.subi %select_n3A_397, %sub3A_739 : vector<16xi32>
    %jit3A_741 = arith.constant 0 : i32
    %jit3A_742 = arith.constant 31 : i32
    %max3A_743 = vector.broadcast %jit3A_741 : i32 to vector<16xi32>
    %max3A_744 = arith.maxsi %max3A_743, %sub3A_740 : vector<16xi32>
    %min3A_745 = vector.broadcast %jit3A_742 : i32 to vector<16xi32>
    %min3A_746 = arith.minsi %min3A_745, %max3A_744 : vector<16xi32>
    %sub3A_747 = arith.subi %select_n3A_710, %select_n3A_714 : vector<16xi32>
    tpu.vector_store_idx %arg9[%min3A_746], %sub3A_747 masked %and3A_738 : memref<32xi32, #tpu.memory_space<vmem>>[vector<16xi32>], vector<16xi32>, vector<16xi1>
    %slice3A_748 = vector.extract_strided_slice %select_n3A_397 {offsets = [15], sizes = [1], strides = [1]} : vector<16xi32> to vector<1xi32>
    %squeeze3A_749 = vector.extract %slice3A_748[0] : i32 from vector<1xi32>
    %slice3A_750 = vector.extract_strided_slice %select_n3A_706 {offsets = [15], sizes = [1], strides = [1]} : vector<16xf32> to vector<1xf32>
    %squeeze3A_751 = vector.extract %slice3A_750[0] : f32 from vector<1xf32>
    %slice3A_752 = vector.extract_strided_slice %select_n3A_710 {offsets = [15], sizes = [1], strides = [1]} : vector<16xi32> to vector<1xi32>
    %squeeze3A_753 = vector.extract %slice3A_752[0] : i32 from vector<1xi32>
    %slice3A_754 = vector.extract_strided_slice %select_n3A_714 {offsets = [15], sizes = [1], strides = [1]} : vector<16xi32> to vector<1xi32>
    %squeeze3A_755 = vector.extract %slice3A_754[0] : i32 from vector<1xi32>
    %jit3A_756 = arith.constant 2 : i32
    %div3A_757 = vector.broadcast %jit3A_756 : i32 to vector<16xi32>
    %div3A_758 = arith.divsi %iota3A, %div3A_757 : vector<16xi32>
    %sign3A_759 = arith.constant 0 : i32
    %sign3A_760 = vector.broadcast %sign3A_759 : i32 to vector<16xi32>
    %sign3A_761 = arith.cmpi sgt, %iota3A, %sign3A_760 : vector<16xi32>
    %sign3A_762 = arith.extui %sign3A_761 : vector<16xi1> to vector<16xi32>
    %sign3A_763 = arith.constant 0 : i32
    %sign3A_764 = vector.broadcast %sign3A_763 : i32 to vector<16xi32>
    %sign3A_765 = arith.cmpi slt, %iota3A, %sign3A_764 : vector<16xi32>
    %sign3A_766 = arith.extui %sign3A_765 : vector<16xi1> to vector<16xi32>
    %sign3A_767 = arith.subi %sign3A_762, %sign3A_766 : vector<16xi32>
    %sign3A_768 = arith.constant 0 : i32
    %sign3A_769 = arith.cmpi sgt, %jit3A_756, %sign3A_768 : i32
    %sign3A_770 = arith.extui %sign3A_769 : i1 to i32
    %sign3A_771 = arith.constant 0 : i32
    %sign3A_772 = arith.cmpi slt, %jit3A_756, %sign3A_771 : i32
    %sign3A_773 = arith.extui %sign3A_772 : i1 to i32
    %sign3A_774 = arith.subi %sign3A_770, %sign3A_773 : i32
    %ne3A_775 = vector.broadcast %sign3A_774 : i32 to vector<16xi32>
    %ne3A_776 = arith.cmpi ne, %sign3A_767, %ne3A_775 : vector<16xi32>
    %rem3A_777 = vector.broadcast %jit3A_756 : i32 to vector<16xi32>
    %rem3A_778 = arith.remsi %iota3A, %rem3A_777 : vector<16xi32>
    %ne3A_779 = arith.constant 0 : i32
    %ne3A_780 = vector.broadcast %ne3A_779 : i32 to vector<16xi32>
    %ne3A_781 = arith.cmpi ne, %rem3A_778, %ne3A_780 : vector<16xi32>
    %and3A_782 = arith.andi %ne3A_776, %ne3A_781 : vector<16xi1>
    %sub3A_783 = arith.constant 1 : i32
    %sub3A_784 = vector.broadcast %sub3A_783 : i32 to vector<16xi32>
    %sub3A_785 = arith.subi %div3A_758, %sub3A_784 : vector<16xi32>
    %select_n3A_786 = arith.select %and3A_782, %sub3A_785, %div3A_758 : vector<16xi1>, vector<16xi32>
    %add3A_787 = arith.constant 8 : i32
    %add3A_788 = vector.broadcast %add3A_787 : i32 to vector<16xi32>
    %add3A_789 = arith.addi %select_n3A_786, %add3A_788 : vector<16xi32>
    %lt3A_790 = arith.constant 0 : i32
    %lt3A_791 = vector.broadcast %lt3A_790 : i32 to vector<16xi32>
    %lt3A_792 = arith.cmpi slt, %add3A_789, %lt3A_791 : vector<16xi32>
    %add3A_793 = arith.constant 16 : i32
    %add3A_794 = vector.broadcast %add3A_793 : i32 to vector<16xi32>
    %add3A_795 = arith.addi %add3A_789, %add3A_794 : vector<16xi32>
    %select_n3A_796 = arith.select %lt3A_792, %add3A_795, %add3A_789 : vector<16xi1>, vector<16xi32>
    %broadcast_in_dim3A_797 = vector.shape_cast %select_n3A_796 : vector<16xi32> to vector<16x1xi32>
    %gather3A_798 = vector.shape_cast %broadcast_in_dim3A_797 : vector<16x1xi32> to vector<16xi32>
    %gather3A_799 = tpu.dynamic_gather %select_n3A_297[%gather3A_798] in [0] : vector<16xi32>, vector<16xi32> -> vector<16xi32>
    %lt3A_800 = arith.constant 0 : i32
    %lt3A_801 = vector.broadcast %lt3A_800 : i32 to vector<16xi32>
    %lt3A_802 = arith.cmpi slt, %add3A_789, %lt3A_801 : vector<16xi32>
    %add3A_803 = arith.constant 16 : i32
    %add3A_804 = vector.broadcast %add3A_803 : i32 to vector<16xi32>
    %add3A_805 = arith.addi %add3A_789, %add3A_804 : vector<16xi32>
    %select_n3A_806 = arith.select %lt3A_802, %add3A_805, %add3A_789 : vector<16xi1>, vector<16xi32>
    %broadcast_in_dim3A_807 = vector.shape_cast %select_n3A_806 : vector<16xi32> to vector<16x1xi32>
    %gather3A_808 = vector.shape_cast %broadcast_in_dim3A_807 : vector<16x1xi32> to vector<16xi32>
    %gather3A_809 = tpu.dynamic_gather %select_n3A_310[%gather3A_808] in [0] : vector<16xi32>, vector<16xi32> -> vector<16xi32>
    %select_n3A_810 = arith.select %eq3A_343, %gather3A_799, %gather3A_809 : vector<16xi1>, vector<16xi32>
    %lt3A_811 = arith.constant 0 : i32
    %lt3A_812 = vector.broadcast %lt3A_811 : i32 to vector<16xi32>
    %lt3A_813 = arith.cmpi slt, %add3A_789, %lt3A_812 : vector<16xi32>
    %add3A_814 = arith.constant 16 : i32
    %add3A_815 = vector.broadcast %add3A_814 : i32 to vector<16xi32>
    %add3A_816 = arith.addi %add3A_789, %add3A_815 : vector<16xi32>
    %select_n3A_817 = arith.select %lt3A_813, %add3A_816, %add3A_789 : vector<16xi1>, vector<16xi32>
    %broadcast_in_dim3A_818 = vector.shape_cast %select_n3A_817 : vector<16xi32> to vector<16x1xi32>
    %gather3A_819 = vector.shape_cast %broadcast_in_dim3A_818 : vector<16x1xi32> to vector<16xi32>
    %gather3A_820 = tpu.dynamic_gather %select_n3A_300[%gather3A_819] in [0] : vector<16xf32>, vector<16xi32> -> vector<16xf32>
    %lt3A_821 = arith.constant 0 : i32
    %lt3A_822 = vector.broadcast %lt3A_821 : i32 to vector<16xi32>
    %lt3A_823 = arith.cmpi slt, %add3A_789, %lt3A_822 : vector<16xi32>
    %add3A_824 = arith.constant 16 : i32
    %add3A_825 = vector.broadcast %add3A_824 : i32 to vector<16xi32>
    %add3A_826 = arith.addi %add3A_789, %add3A_825 : vector<16xi32>
    %select_n3A_827 = arith.select %lt3A_823, %add3A_826, %add3A_789 : vector<16xi1>, vector<16xi32>
    %broadcast_in_dim3A_828 = vector.shape_cast %select_n3A_827 : vector<16xi32> to vector<16x1xi32>
    %gather3A_829 = vector.shape_cast %broadcast_in_dim3A_828 : vector<16x1xi32> to vector<16xi32>
    %gather3A_830 = tpu.dynamic_gather %select_n3A_313[%gather3A_829] in [0] : vector<16xf32>, vector<16xi32> -> vector<16xf32>
    %select_n3A_831 = arith.select %eq3A_343, %gather3A_820, %gather3A_830 : vector<16xi1>, vector<16xf32>
    %lt3A_832 = arith.constant 0 : i32
    %lt3A_833 = vector.broadcast %lt3A_832 : i32 to vector<16xi32>
    %lt3A_834 = arith.cmpi slt, %add3A_789, %lt3A_833 : vector<16xi32>
    %add3A_835 = arith.constant 16 : i32
    %add3A_836 = vector.broadcast %add3A_835 : i32 to vector<16xi32>
    %add3A_837 = arith.addi %add3A_789, %add3A_836 : vector<16xi32>
    %select_n3A_838 = arith.select %lt3A_834, %add3A_837, %add3A_789 : vector<16xi1>, vector<16xi32>
    %broadcast_in_dim3A_839 = vector.shape_cast %select_n3A_838 : vector<16xi32> to vector<16x1xi32>
    %gather3A_840 = vector.shape_cast %broadcast_in_dim3A_839 : vector<16x1xi32> to vector<16xi32>
    %gather3A_841 = tpu.dynamic_gather %select_n3A_303[%gather3A_840] in [0] : vector<16xi32>, vector<16xi32> -> vector<16xi32>
    %lt3A_842 = arith.constant 0 : i32
    %lt3A_843 = vector.broadcast %lt3A_842 : i32 to vector<16xi32>
    %lt3A_844 = arith.cmpi slt, %add3A_789, %lt3A_843 : vector<16xi32>
    %add3A_845 = arith.constant 16 : i32
    %add3A_846 = vector.broadcast %add3A_845 : i32 to vector<16xi32>
    %add3A_847 = arith.addi %add3A_789, %add3A_846 : vector<16xi32>
    %select_n3A_848 = arith.select %lt3A_844, %add3A_847, %add3A_789 : vector<16xi1>, vector<16xi32>
    %broadcast_in_dim3A_849 = vector.shape_cast %select_n3A_848 : vector<16xi32> to vector<16x1xi32>
    %gather3A_850 = vector.shape_cast %broadcast_in_dim3A_849 : vector<16x1xi32> to vector<16xi32>
    %gather3A_851 = tpu.dynamic_gather %select_n3A_316[%gather3A_850] in [0] : vector<16xi32>, vector<16xi32> -> vector<16xi32>
    %select_n3A_852 = arith.select %eq3A_343, %gather3A_841, %gather3A_851 : vector<16xi1>, vector<16xi32>
    %lt3A_853 = arith.constant 0 : i32
    %lt3A_854 = vector.broadcast %lt3A_853 : i32 to vector<16xi32>
    %lt3A_855 = arith.cmpi slt, %add3A_789, %lt3A_854 : vector<16xi32>
    %add3A_856 = arith.constant 16 : i32
    %add3A_857 = vector.broadcast %add3A_856 : i32 to vector<16xi32>
    %add3A_858 = arith.addi %add3A_789, %add3A_857 : vector<16xi32>
    %select_n3A_859 = arith.select %lt3A_855, %add3A_858, %add3A_789 : vector<16xi1>, vector<16xi32>
    %broadcast_in_dim3A_860 = vector.shape_cast %select_n3A_859 : vector<16xi32> to vector<16x1xi32>
    %gather3A_861 = vector.shape_cast %broadcast_in_dim3A_860 : vector<16x1xi32> to vector<16xi32>
    %gather3A_862 = tpu.dynamic_gather %select_n3A_306[%gather3A_861] in [0] : vector<16xi32>, vector<16xi32> -> vector<16xi32>
    %lt3A_863 = arith.constant 0 : i32
    %lt3A_864 = vector.broadcast %lt3A_863 : i32 to vector<16xi32>
    %lt3A_865 = arith.cmpi slt, %add3A_789, %lt3A_864 : vector<16xi32>
    %add3A_866 = arith.constant 16 : i32
    %add3A_867 = vector.broadcast %add3A_866 : i32 to vector<16xi32>
    %add3A_868 = arith.addi %add3A_789, %add3A_867 : vector<16xi32>
    %select_n3A_869 = arith.select %lt3A_865, %add3A_868, %add3A_789 : vector<16xi1>, vector<16xi32>
    %broadcast_in_dim3A_870 = vector.shape_cast %select_n3A_869 : vector<16xi32> to vector<16x1xi32>
    %gather3A_871 = vector.shape_cast %broadcast_in_dim3A_870 : vector<16x1xi32> to vector<16xi32>
    %gather3A_872 = tpu.dynamic_gather %select_n3A_319[%gather3A_871] in [0] : vector<16xi32>, vector<16xi32> -> vector<16xi32>
    %select_n3A_873 = arith.select %eq3A_343, %gather3A_862, %gather3A_872 : vector<16xi1>, vector<16xi32>
    %sub3A_874 = arith.constant 1 : i32
    %sub3A_875 = vector.broadcast %sub3A_874 : i32 to vector<16xi32>
    %sub3A_876 = arith.subi %iota3A, %sub3A_875 : vector<16xi32>
    %max3A_877 = arith.constant 0 : i32
    %max3A_878 = vector.broadcast %max3A_877 : i32 to vector<16xi32>
    %max3A_879 = arith.maxsi %sub3A_876, %max3A_878 : vector<16xi32>
    %lt3A_880 = arith.constant 0 : i32
    %lt3A_881 = vector.broadcast %lt3A_880 : i32 to vector<16xi32>
    %lt3A_882 = arith.cmpi slt, %max3A_879, %lt3A_881 : vector<16xi32>
    %add3A_883 = arith.constant 16 : i32
    %add3A_884 = vector.broadcast %add3A_883 : i32 to vector<16xi32>
    %add3A_885 = arith.addi %max3A_879, %add3A_884 : vector<16xi32>
    %select_n3A_886 = arith.select %lt3A_882, %add3A_885, %max3A_879 : vector<16xi1>, vector<16xi32>
    %broadcast_in_dim3A_887 = vector.shape_cast %select_n3A_886 : vector<16xi32> to vector<16x1xi32>
    %gather3A_888 = vector.shape_cast %broadcast_in_dim3A_887 : vector<16x1xi32> to vector<16xi32>
    %gather3A_889 = tpu.dynamic_gather %select_n3A_810[%gather3A_888] in [0] : vector<16xi32>, vector<16xi32> -> vector<16xi32>
    %eq3A_890 = arith.cmpi eq, %gather3A_889, %select_n3A_810 : vector<16xi32>
    %ge3A_891 = arith.constant 1 : i32
    %ge3A_892 = vector.broadcast %ge3A_891 : i32 to vector<16xi32>
    %ge3A_893 = arith.cmpi sge, %iota3A, %ge3A_892 : vector<16xi32>
    %and3A_894 = arith.andi %eq3A_890, %ge3A_893 : vector<16xi1>
    %lt3A_895 = arith.constant 0 : i32
    %lt3A_896 = vector.broadcast %lt3A_895 : i32 to vector<16xi32>
    %lt3A_897 = arith.cmpi slt, %max3A_879, %lt3A_896 : vector<16xi32>
    %add3A_898 = arith.constant 16 : i32
    %add3A_899 = vector.broadcast %add3A_898 : i32 to vector<16xi32>
    %add3A_900 = arith.addi %max3A_879, %add3A_899 : vector<16xi32>
    %select_n3A_901 = arith.select %lt3A_897, %add3A_900, %max3A_879 : vector<16xi1>, vector<16xi32>
    %broadcast_in_dim3A_902 = vector.shape_cast %select_n3A_901 : vector<16xi32> to vector<16x1xi32>
    %gather3A_903 = vector.shape_cast %broadcast_in_dim3A_902 : vector<16x1xi32> to vector<16xi32>
    %gather3A_904 = tpu.dynamic_gather %select_n3A_831[%gather3A_903] in [0] : vector<16xf32>, vector<16xi32> -> vector<16xf32>
    %lt3A_905 = arith.constant 0 : i32
    %lt3A_906 = vector.broadcast %lt3A_905 : i32 to vector<16xi32>
    %lt3A_907 = arith.cmpi slt, %max3A_879, %lt3A_906 : vector<16xi32>
    %add3A_908 = arith.constant 16 : i32
    %add3A_909 = vector.broadcast %add3A_908 : i32 to vector<16xi32>
    %add3A_910 = arith.addi %max3A_879, %add3A_909 : vector<16xi32>
    %select_n3A_911 = arith.select %lt3A_907, %add3A_910, %max3A_879 : vector<16xi1>, vector<16xi32>
    %broadcast_in_dim3A_912 = vector.shape_cast %select_n3A_911 : vector<16xi32> to vector<16x1xi32>
    %gather3A_913 = vector.shape_cast %broadcast_in_dim3A_912 : vector<16x1xi32> to vector<16xi32>
    %gather3A_914 = tpu.dynamic_gather %select_n3A_852[%gather3A_913] in [0] : vector<16xi32>, vector<16xi32> -> vector<16xi32>
    %lt3A_915 = arith.constant 0 : i32
    %lt3A_916 = vector.broadcast %lt3A_915 : i32 to vector<16xi32>
    %lt3A_917 = arith.cmpi slt, %max3A_879, %lt3A_916 : vector<16xi32>
    %add3A_918 = arith.constant 16 : i32
    %add3A_919 = vector.broadcast %add3A_918 : i32 to vector<16xi32>
    %add3A_920 = arith.addi %max3A_879, %add3A_919 : vector<16xi32>
    %select_n3A_921 = arith.select %lt3A_917, %add3A_920, %max3A_879 : vector<16xi1>, vector<16xi32>
    %broadcast_in_dim3A_922 = vector.shape_cast %select_n3A_921 : vector<16xi32> to vector<16x1xi32>
    %gather3A_923 = vector.shape_cast %broadcast_in_dim3A_922 : vector<16x1xi32> to vector<16xi32>
    %gather3A_924 = tpu.dynamic_gather %select_n3A_873[%gather3A_923] in [0] : vector<16xi32>, vector<16xi32> -> vector<16xi32>
    %gt3A_925 = arith.cmpf ogt, %select_n3A_831, %gather3A_904 : vector<16xf32>
    %select_n3A_926 = arith.select %gt3A_925, %select_n3A_831, %gather3A_904 : vector<16xi1>, vector<16xf32>
    %select_n3A_927 = arith.select %and3A_894, %select_n3A_926, %select_n3A_831 : vector<16xi1>, vector<16xf32>
    %select_n3A_928 = arith.select %gt3A_925, %select_n3A_852, %gather3A_914 : vector<16xi1>, vector<16xi32>
    %select_n3A_929 = arith.select %and3A_894, %select_n3A_928, %select_n3A_852 : vector<16xi1>, vector<16xi32>
    %min3A_930 = arith.minsi %select_n3A_873, %gather3A_924 : vector<16xi32>
    %select_n3A_931 = arith.select %and3A_894, %min3A_930, %select_n3A_873 : vector<16xi1>, vector<16xi32>
    %sub3A_932 = arith.constant 2 : i32
    %sub3A_933 = vector.broadcast %sub3A_932 : i32 to vector<16xi32>
    %sub3A_934 = arith.subi %iota3A, %sub3A_933 : vector<16xi32>
    %max3A_935 = arith.constant 0 : i32
    %max3A_936 = vector.broadcast %max3A_935 : i32 to vector<16xi32>
    %max3A_937 = arith.maxsi %sub3A_934, %max3A_936 : vector<16xi32>
    %lt3A_938 = arith.constant 0 : i32
    %lt3A_939 = vector.broadcast %lt3A_938 : i32 to vector<16xi32>
    %lt3A_940 = arith.cmpi slt, %max3A_937, %lt3A_939 : vector<16xi32>
    %add3A_941 = arith.constant 16 : i32
    %add3A_942 = vector.broadcast %add3A_941 : i32 to vector<16xi32>
    %add3A_943 = arith.addi %max3A_937, %add3A_942 : vector<16xi32>
    %select_n3A_944 = arith.select %lt3A_940, %add3A_943, %max3A_937 : vector<16xi1>, vector<16xi32>
    %broadcast_in_dim3A_945 = vector.shape_cast %select_n3A_944 : vector<16xi32> to vector<16x1xi32>
    %gather3A_946 = vector.shape_cast %broadcast_in_dim3A_945 : vector<16x1xi32> to vector<16xi32>
    %gather3A_947 = tpu.dynamic_gather %select_n3A_810[%gather3A_946] in [0] : vector<16xi32>, vector<16xi32> -> vector<16xi32>
    %eq3A_948 = arith.cmpi eq, %gather3A_947, %select_n3A_810 : vector<16xi32>
    %ge3A_949 = arith.constant 2 : i32
    %ge3A_950 = vector.broadcast %ge3A_949 : i32 to vector<16xi32>
    %ge3A_951 = arith.cmpi sge, %iota3A, %ge3A_950 : vector<16xi32>
    %and3A_952 = arith.andi %eq3A_948, %ge3A_951 : vector<16xi1>
    %lt3A_953 = arith.constant 0 : i32
    %lt3A_954 = vector.broadcast %lt3A_953 : i32 to vector<16xi32>
    %lt3A_955 = arith.cmpi slt, %max3A_937, %lt3A_954 : vector<16xi32>
    %add3A_956 = arith.constant 16 : i32
    %add3A_957 = vector.broadcast %add3A_956 : i32 to vector<16xi32>
    %add3A_958 = arith.addi %max3A_937, %add3A_957 : vector<16xi32>
    %select_n3A_959 = arith.select %lt3A_955, %add3A_958, %max3A_937 : vector<16xi1>, vector<16xi32>
    %broadcast_in_dim3A_960 = vector.shape_cast %select_n3A_959 : vector<16xi32> to vector<16x1xi32>
    %gather3A_961 = vector.shape_cast %broadcast_in_dim3A_960 : vector<16x1xi32> to vector<16xi32>
    %gather3A_962 = tpu.dynamic_gather %select_n3A_927[%gather3A_961] in [0] : vector<16xf32>, vector<16xi32> -> vector<16xf32>
    %lt3A_963 = arith.constant 0 : i32
    %lt3A_964 = vector.broadcast %lt3A_963 : i32 to vector<16xi32>
    %lt3A_965 = arith.cmpi slt, %max3A_937, %lt3A_964 : vector<16xi32>
    %add3A_966 = arith.constant 16 : i32
    %add3A_967 = vector.broadcast %add3A_966 : i32 to vector<16xi32>
    %add3A_968 = arith.addi %max3A_937, %add3A_967 : vector<16xi32>
    %select_n3A_969 = arith.select %lt3A_965, %add3A_968, %max3A_937 : vector<16xi1>, vector<16xi32>
    %broadcast_in_dim3A_970 = vector.shape_cast %select_n3A_969 : vector<16xi32> to vector<16x1xi32>
    %gather3A_971 = vector.shape_cast %broadcast_in_dim3A_970 : vector<16x1xi32> to vector<16xi32>
    %gather3A_972 = tpu.dynamic_gather %select_n3A_929[%gather3A_971] in [0] : vector<16xi32>, vector<16xi32> -> vector<16xi32>
    %lt3A_973 = arith.constant 0 : i32
    %lt3A_974 = vector.broadcast %lt3A_973 : i32 to vector<16xi32>
    %lt3A_975 = arith.cmpi slt, %max3A_937, %lt3A_974 : vector<16xi32>
    %add3A_976 = arith.constant 16 : i32
    %add3A_977 = vector.broadcast %add3A_976 : i32 to vector<16xi32>
    %add3A_978 = arith.addi %max3A_937, %add3A_977 : vector<16xi32>
    %select_n3A_979 = arith.select %lt3A_975, %add3A_978, %max3A_937 : vector<16xi1>, vector<16xi32>
    %broadcast_in_dim3A_980 = vector.shape_cast %select_n3A_979 : vector<16xi32> to vector<16x1xi32>
    %gather3A_981 = vector.shape_cast %broadcast_in_dim3A_980 : vector<16x1xi32> to vector<16xi32>
    %gather3A_982 = tpu.dynamic_gather %select_n3A_931[%gather3A_981] in [0] : vector<16xi32>, vector<16xi32> -> vector<16xi32>
    %gt3A_983 = arith.cmpf ogt, %select_n3A_927, %gather3A_962 : vector<16xf32>
    %select_n3A_984 = arith.select %gt3A_983, %select_n3A_927, %gather3A_962 : vector<16xi1>, vector<16xf32>
    %select_n3A_985 = arith.select %and3A_952, %select_n3A_984, %select_n3A_927 : vector<16xi1>, vector<16xf32>
    %select_n3A_986 = arith.select %gt3A_983, %select_n3A_929, %gather3A_972 : vector<16xi1>, vector<16xi32>
    %select_n3A_987 = arith.select %and3A_952, %select_n3A_986, %select_n3A_929 : vector<16xi1>, vector<16xi32>
    %min3A_988 = arith.minsi %select_n3A_931, %gather3A_982 : vector<16xi32>
    %select_n3A_989 = arith.select %and3A_952, %min3A_988, %select_n3A_931 : vector<16xi1>, vector<16xi32>
    %sub3A_990 = arith.constant 4 : i32
    %sub3A_991 = vector.broadcast %sub3A_990 : i32 to vector<16xi32>
    %sub3A_992 = arith.subi %iota3A, %sub3A_991 : vector<16xi32>
    %max3A_993 = arith.constant 0 : i32
    %max3A_994 = vector.broadcast %max3A_993 : i32 to vector<16xi32>
    %max3A_995 = arith.maxsi %sub3A_992, %max3A_994 : vector<16xi32>
    %lt3A_996 = arith.constant 0 : i32
    %lt3A_997 = vector.broadcast %lt3A_996 : i32 to vector<16xi32>
    %lt3A_998 = arith.cmpi slt, %max3A_995, %lt3A_997 : vector<16xi32>
    %add3A_999 = arith.constant 16 : i32
    %add3A_1000 = vector.broadcast %add3A_999 : i32 to vector<16xi32>
    %add3A_1001 = arith.addi %max3A_995, %add3A_1000 : vector<16xi32>
    %select_n3A_1002 = arith.select %lt3A_998, %add3A_1001, %max3A_995 : vector<16xi1>, vector<16xi32>
    %broadcast_in_dim3A_1003 = vector.shape_cast %select_n3A_1002 : vector<16xi32> to vector<16x1xi32>
    %gather3A_1004 = vector.shape_cast %broadcast_in_dim3A_1003 : vector<16x1xi32> to vector<16xi32>
    %gather3A_1005 = tpu.dynamic_gather %select_n3A_810[%gather3A_1004] in [0] : vector<16xi32>, vector<16xi32> -> vector<16xi32>
    %eq3A_1006 = arith.cmpi eq, %gather3A_1005, %select_n3A_810 : vector<16xi32>
    %ge3A_1007 = arith.constant 4 : i32
    %ge3A_1008 = vector.broadcast %ge3A_1007 : i32 to vector<16xi32>
    %ge3A_1009 = arith.cmpi sge, %iota3A, %ge3A_1008 : vector<16xi32>
    %and3A_1010 = arith.andi %eq3A_1006, %ge3A_1009 : vector<16xi1>
    %lt3A_1011 = arith.constant 0 : i32
    %lt3A_1012 = vector.broadcast %lt3A_1011 : i32 to vector<16xi32>
    %lt3A_1013 = arith.cmpi slt, %max3A_995, %lt3A_1012 : vector<16xi32>
    %add3A_1014 = arith.constant 16 : i32
    %add3A_1015 = vector.broadcast %add3A_1014 : i32 to vector<16xi32>
    %add3A_1016 = arith.addi %max3A_995, %add3A_1015 : vector<16xi32>
    %select_n3A_1017 = arith.select %lt3A_1013, %add3A_1016, %max3A_995 : vector<16xi1>, vector<16xi32>
    %broadcast_in_dim3A_1018 = vector.shape_cast %select_n3A_1017 : vector<16xi32> to vector<16x1xi32>
    %gather3A_1019 = vector.shape_cast %broadcast_in_dim3A_1018 : vector<16x1xi32> to vector<16xi32>
    %gather3A_1020 = tpu.dynamic_gather %select_n3A_985[%gather3A_1019] in [0] : vector<16xf32>, vector<16xi32> -> vector<16xf32>
    %lt3A_1021 = arith.constant 0 : i32
    %lt3A_1022 = vector.broadcast %lt3A_1021 : i32 to vector<16xi32>
    %lt3A_1023 = arith.cmpi slt, %max3A_995, %lt3A_1022 : vector<16xi32>
    %add3A_1024 = arith.constant 16 : i32
    %add3A_1025 = vector.broadcast %add3A_1024 : i32 to vector<16xi32>
    %add3A_1026 = arith.addi %max3A_995, %add3A_1025 : vector<16xi32>
    %select_n3A_1027 = arith.select %lt3A_1023, %add3A_1026, %max3A_995 : vector<16xi1>, vector<16xi32>
    %broadcast_in_dim3A_1028 = vector.shape_cast %select_n3A_1027 : vector<16xi32> to vector<16x1xi32>
    %gather3A_1029 = vector.shape_cast %broadcast_in_dim3A_1028 : vector<16x1xi32> to vector<16xi32>
    %gather3A_1030 = tpu.dynamic_gather %select_n3A_987[%gather3A_1029] in [0] : vector<16xi32>, vector<16xi32> -> vector<16xi32>
    %lt3A_1031 = arith.constant 0 : i32
    %lt3A_1032 = vector.broadcast %lt3A_1031 : i32 to vector<16xi32>
    %lt3A_1033 = arith.cmpi slt, %max3A_995, %lt3A_1032 : vector<16xi32>
    %add3A_1034 = arith.constant 16 : i32
    %add3A_1035 = vector.broadcast %add3A_1034 : i32 to vector<16xi32>
    %add3A_1036 = arith.addi %max3A_995, %add3A_1035 : vector<16xi32>
    %select_n3A_1037 = arith.select %lt3A_1033, %add3A_1036, %max3A_995 : vector<16xi1>, vector<16xi32>
    %broadcast_in_dim3A_1038 = vector.shape_cast %select_n3A_1037 : vector<16xi32> to vector<16x1xi32>
    %gather3A_1039 = vector.shape_cast %broadcast_in_dim3A_1038 : vector<16x1xi32> to vector<16xi32>
    %gather3A_1040 = tpu.dynamic_gather %select_n3A_989[%gather3A_1039] in [0] : vector<16xi32>, vector<16xi32> -> vector<16xi32>
    %gt3A_1041 = arith.cmpf ogt, %select_n3A_985, %gather3A_1020 : vector<16xf32>
    %select_n3A_1042 = arith.select %gt3A_1041, %select_n3A_985, %gather3A_1020 : vector<16xi1>, vector<16xf32>
    %select_n3A_1043 = arith.select %and3A_1010, %select_n3A_1042, %select_n3A_985 : vector<16xi1>, vector<16xf32>
    %select_n3A_1044 = arith.select %gt3A_1041, %select_n3A_987, %gather3A_1030 : vector<16xi1>, vector<16xi32>
    %select_n3A_1045 = arith.select %and3A_1010, %select_n3A_1044, %select_n3A_987 : vector<16xi1>, vector<16xi32>
    %min3A_1046 = arith.minsi %select_n3A_989, %gather3A_1040 : vector<16xi32>
    %select_n3A_1047 = arith.select %and3A_1010, %min3A_1046, %select_n3A_989 : vector<16xi1>, vector<16xi32>
    %sub3A_1048 = arith.constant 8 : i32
    %sub3A_1049 = vector.broadcast %sub3A_1048 : i32 to vector<16xi32>
    %sub3A_1050 = arith.subi %iota3A, %sub3A_1049 : vector<16xi32>
    %max3A_1051 = arith.constant 0 : i32
    %max3A_1052 = vector.broadcast %max3A_1051 : i32 to vector<16xi32>
    %max3A_1053 = arith.maxsi %sub3A_1050, %max3A_1052 : vector<16xi32>
    %lt3A_1054 = arith.constant 0 : i32
    %lt3A_1055 = vector.broadcast %lt3A_1054 : i32 to vector<16xi32>
    %lt3A_1056 = arith.cmpi slt, %max3A_1053, %lt3A_1055 : vector<16xi32>
    %add3A_1057 = arith.constant 16 : i32
    %add3A_1058 = vector.broadcast %add3A_1057 : i32 to vector<16xi32>
    %add3A_1059 = arith.addi %max3A_1053, %add3A_1058 : vector<16xi32>
    %select_n3A_1060 = arith.select %lt3A_1056, %add3A_1059, %max3A_1053 : vector<16xi1>, vector<16xi32>
    %broadcast_in_dim3A_1061 = vector.shape_cast %select_n3A_1060 : vector<16xi32> to vector<16x1xi32>
    %gather3A_1062 = vector.shape_cast %broadcast_in_dim3A_1061 : vector<16x1xi32> to vector<16xi32>
    %gather3A_1063 = tpu.dynamic_gather %select_n3A_810[%gather3A_1062] in [0] : vector<16xi32>, vector<16xi32> -> vector<16xi32>
    %eq3A_1064 = arith.cmpi eq, %gather3A_1063, %select_n3A_810 : vector<16xi32>
    %ge3A_1065 = arith.constant 8 : i32
    %ge3A_1066 = vector.broadcast %ge3A_1065 : i32 to vector<16xi32>
    %ge3A_1067 = arith.cmpi sge, %iota3A, %ge3A_1066 : vector<16xi32>
    %and3A_1068 = arith.andi %eq3A_1064, %ge3A_1067 : vector<16xi1>
    %lt3A_1069 = arith.constant 0 : i32
    %lt3A_1070 = vector.broadcast %lt3A_1069 : i32 to vector<16xi32>
    %lt3A_1071 = arith.cmpi slt, %max3A_1053, %lt3A_1070 : vector<16xi32>
    %add3A_1072 = arith.constant 16 : i32
    %add3A_1073 = vector.broadcast %add3A_1072 : i32 to vector<16xi32>
    %add3A_1074 = arith.addi %max3A_1053, %add3A_1073 : vector<16xi32>
    %select_n3A_1075 = arith.select %lt3A_1071, %add3A_1074, %max3A_1053 : vector<16xi1>, vector<16xi32>
    %broadcast_in_dim3A_1076 = vector.shape_cast %select_n3A_1075 : vector<16xi32> to vector<16x1xi32>
    %gather3A_1077 = vector.shape_cast %broadcast_in_dim3A_1076 : vector<16x1xi32> to vector<16xi32>
    %gather3A_1078 = tpu.dynamic_gather %select_n3A_1043[%gather3A_1077] in [0] : vector<16xf32>, vector<16xi32> -> vector<16xf32>
    %lt3A_1079 = arith.constant 0 : i32
    %lt3A_1080 = vector.broadcast %lt3A_1079 : i32 to vector<16xi32>
    %lt3A_1081 = arith.cmpi slt, %max3A_1053, %lt3A_1080 : vector<16xi32>
    %add3A_1082 = arith.constant 16 : i32
    %add3A_1083 = vector.broadcast %add3A_1082 : i32 to vector<16xi32>
    %add3A_1084 = arith.addi %max3A_1053, %add3A_1083 : vector<16xi32>
    %select_n3A_1085 = arith.select %lt3A_1081, %add3A_1084, %max3A_1053 : vector<16xi1>, vector<16xi32>
    %broadcast_in_dim3A_1086 = vector.shape_cast %select_n3A_1085 : vector<16xi32> to vector<16x1xi32>
    %gather3A_1087 = vector.shape_cast %broadcast_in_dim3A_1086 : vector<16x1xi32> to vector<16xi32>
    %gather3A_1088 = tpu.dynamic_gather %select_n3A_1045[%gather3A_1087] in [0] : vector<16xi32>, vector<16xi32> -> vector<16xi32>
    %lt3A_1089 = arith.constant 0 : i32
    %lt3A_1090 = vector.broadcast %lt3A_1089 : i32 to vector<16xi32>
    %lt3A_1091 = arith.cmpi slt, %max3A_1053, %lt3A_1090 : vector<16xi32>
    %add3A_1092 = arith.constant 16 : i32
    %add3A_1093 = vector.broadcast %add3A_1092 : i32 to vector<16xi32>
    %add3A_1094 = arith.addi %max3A_1053, %add3A_1093 : vector<16xi32>
    %select_n3A_1095 = arith.select %lt3A_1091, %add3A_1094, %max3A_1053 : vector<16xi1>, vector<16xi32>
    %broadcast_in_dim3A_1096 = vector.shape_cast %select_n3A_1095 : vector<16xi32> to vector<16x1xi32>
    %gather3A_1097 = vector.shape_cast %broadcast_in_dim3A_1096 : vector<16x1xi32> to vector<16xi32>
    %gather3A_1098 = tpu.dynamic_gather %select_n3A_1047[%gather3A_1097] in [0] : vector<16xi32>, vector<16xi32> -> vector<16xi32>
    %gt3A_1099 = arith.cmpf ogt, %select_n3A_1043, %gather3A_1078 : vector<16xf32>
    %select_n3A_1100 = arith.select %gt3A_1099, %select_n3A_1043, %gather3A_1078 : vector<16xi1>, vector<16xf32>
    %select_n3A_1101 = arith.select %and3A_1068, %select_n3A_1100, %select_n3A_1043 : vector<16xi1>, vector<16xf32>
    %select_n3A_1102 = arith.select %gt3A_1099, %select_n3A_1045, %gather3A_1088 : vector<16xi1>, vector<16xi32>
    %select_n3A_1103 = arith.select %and3A_1068, %select_n3A_1102, %select_n3A_1045 : vector<16xi1>, vector<16xi32>
    %min3A_1104 = arith.minsi %select_n3A_1047, %gather3A_1098 : vector<16xi32>
    %select_n3A_1105 = arith.select %and3A_1068, %min3A_1104, %select_n3A_1047 : vector<16xi1>, vector<16xi32>
    %eq3A_1106 = vector.broadcast %squeeze3A_749 : i32 to vector<16xi32>
    %eq3A_1107 = arith.cmpi eq, %select_n3A_810, %eq3A_1106 : vector<16xi32>
    %ge3A_1108 = arith.constant 0 : i32
    %ge3A_1109 = vector.broadcast %ge3A_1108 : i32 to vector<16xi32>
    %ge3A_1110 = arith.cmpi sge, %select_n3A_810, %ge3A_1109 : vector<16xi32>
    %and3A_1111 = arith.andi %eq3A_1107, %ge3A_1110 : vector<16xi1>
    %gt3A_1112 = vector.broadcast %squeeze3A_751 : f32 to vector<16xf32>
    %gt3A_1113 = arith.cmpf ogt, %select_n3A_1101, %gt3A_1112 : vector<16xf32>
    %broadcast_in_dim3A_1114 = vector.broadcast %squeeze3A_751 : f32 to vector<16xf32>
    %select_n3A_1115 = arith.select %gt3A_1113, %select_n3A_1101, %broadcast_in_dim3A_1114 : vector<16xi1>, vector<16xf32>
    %select_n3A_1116 = arith.select %and3A_1111, %select_n3A_1115, %select_n3A_1101 : vector<16xi1>, vector<16xf32>
    %broadcast_in_dim3A_1117 = vector.broadcast %squeeze3A_753 : i32 to vector<16xi32>
    %select_n3A_1118 = arith.select %gt3A_1113, %select_n3A_1103, %broadcast_in_dim3A_1117 : vector<16xi1>, vector<16xi32>
    %select_n3A_1119 = arith.select %and3A_1111, %select_n3A_1118, %select_n3A_1103 : vector<16xi1>, vector<16xi32>
    %min3A_1120 = vector.broadcast %squeeze3A_755 : i32 to vector<16xi32>
    %min3A_1121 = arith.minsi %select_n3A_1105, %min3A_1120 : vector<16xi32>
    %select_n3A_1122 = arith.select %and3A_1111, %min3A_1121, %select_n3A_1105 : vector<16xi1>, vector<16xi32>
    %add3A_1123 = arith.constant 1 : i32
    %add3A_1124 = vector.broadcast %add3A_1123 : i32 to vector<16xi32>
    %add3A_1125 = arith.addi %iota3A, %add3A_1124 : vector<16xi32>
    %min3A_1126 = arith.constant 15 : i32
    %min3A_1127 = vector.broadcast %min3A_1126 : i32 to vector<16xi32>
    %min3A_1128 = arith.minsi %add3A_1125, %min3A_1127 : vector<16xi32>
    %lt3A_1129 = arith.constant 0 : i32
    %lt3A_1130 = vector.broadcast %lt3A_1129 : i32 to vector<16xi32>
    %lt3A_1131 = arith.cmpi slt, %min3A_1128, %lt3A_1130 : vector<16xi32>
    %add3A_1132 = arith.constant 16 : i32
    %add3A_1133 = vector.broadcast %add3A_1132 : i32 to vector<16xi32>
    %add3A_1134 = arith.addi %min3A_1128, %add3A_1133 : vector<16xi32>
    %select_n3A_1135 = arith.select %lt3A_1131, %add3A_1134, %min3A_1128 : vector<16xi1>, vector<16xi32>
    %broadcast_in_dim3A_1136 = vector.shape_cast %select_n3A_1135 : vector<16xi32> to vector<16x1xi32>
    %gather3A_1137 = vector.shape_cast %broadcast_in_dim3A_1136 : vector<16x1xi32> to vector<16xi32>
    %gather3A_1138 = tpu.dynamic_gather %select_n3A_810[%gather3A_1137] in [0] : vector<16xi32>, vector<16xi32> -> vector<16xi32>
    %ne3A_1139 = arith.cmpi ne, %gather3A_1138, %select_n3A_810 : vector<16xi32>
    %eq3A_1140 = arith.constant 15 : i32
    %eq3A_1141 = vector.broadcast %eq3A_1140 : i32 to vector<16xi32>
    %eq3A_1142 = arith.cmpi eq, %iota3A, %eq3A_1141 : vector<16xi32>
    %or3A_1143 = arith.ori %ne3A_1139, %eq3A_1142 : vector<16xi1>
    %ge3A_1144 = arith.constant 0 : i32
    %ge3A_1145 = vector.broadcast %ge3A_1144 : i32 to vector<16xi32>
    %ge3A_1146 = arith.cmpi sge, %select_n3A_810, %ge3A_1145 : vector<16xi32>
    %and3A_1147 = arith.andi %or3A_1143, %ge3A_1146 : vector<16xi1>
    %sub3A_1148 = vector.broadcast %mul3A_2 : i32 to vector<16xi32>
    %sub3A_1149 = arith.subi %select_n3A_810, %sub3A_1148 : vector<16xi32>
    %jit3A_1150 = arith.constant 0 : i32
    %jit3A_1151 = arith.constant 31 : i32
    %max3A_1152 = vector.broadcast %jit3A_1150 : i32 to vector<16xi32>
    %max3A_1153 = arith.maxsi %max3A_1152, %sub3A_1149 : vector<16xi32>
    %min3A_1154 = vector.broadcast %jit3A_1151 : i32 to vector<16xi32>
    %min3A_1155 = arith.minsi %min3A_1154, %max3A_1153 : vector<16xi32>
    %sub3A_1156 = arith.subi %select_n3A_1119, %select_n3A_1122 : vector<16xi32>
    tpu.vector_store_idx %arg9[%min3A_1155], %sub3A_1156 masked %and3A_1147 : memref<32xi32, #tpu.memory_space<vmem>>[vector<16xi32>], vector<16xi32>, vector<16xi1>
    %slice3A_1157 = vector.extract_strided_slice %select_n3A_810 {offsets = [15], sizes = [1], strides = [1]} : vector<16xi32> to vector<1xi32>
    %squeeze3A_1158 = vector.extract %slice3A_1157[0] : i32 from vector<1xi32>
    %slice3A_1159 = vector.extract_strided_slice %select_n3A_1116 {offsets = [15], sizes = [1], strides = [1]} : vector<16xf32> to vector<1xf32>
    %squeeze3A_1160 = vector.extract %slice3A_1159[0] : f32 from vector<1xf32>
    %slice3A_1161 = vector.extract_strided_slice %select_n3A_1119 {offsets = [15], sizes = [1], strides = [1]} : vector<16xi32> to vector<1xi32>
    %squeeze3A_1162 = vector.extract %slice3A_1161[0] : i32 from vector<1xi32>
    %slice3A_1163 = vector.extract_strided_slice %select_n3A_1122 {offsets = [15], sizes = [1], strides = [1]} : vector<16xi32> to vector<1xi32>
    %squeeze3A_1164 = vector.extract %slice3A_1163[0] : i32 from vector<1xi32>
    "tpu.region"() ({
      %run_scoped3A = tpu.sem_alloc : memref<!tpu.dma_semaphore, #tpu.memory_space<semaphore_mem>>
      %dma_start3A_1165 = tpu.memref_slice %arg4[%mul3A_2] : memref<1024xi32, #tpu.memory_space<hbm>> -> memref<32xi32, #tpu.memory_space<hbm>>
      %dma_start3A_1166 = tpu.memref_slice %arg4[%mul3A_2] : memref<1024xi32, #tpu.memory_space<hbm>> -> memref<32xi32, #tpu.memory_space<hbm>>
      tpu.enqueue_dma source(%arg9 : memref<32xi32, #tpu.memory_space<vmem>>) target(%dma_start3A_1166 : memref<32xi32, #tpu.memory_space<hbm>>) target_semaphore(%run_scoped3A : memref<!tpu.dma_semaphore, #tpu.memory_space<semaphore_mem>>)
      %dma_wait3A_1167 = tpu.memref_slice %arg4[%mul3A_2] : memref<1024xi32, #tpu.memory_space<hbm>> -> memref<32xi32, #tpu.memory_space<hbm>>
      %dma_wait3A_1168 = tpu.memref_slice %arg4[%mul3A_2] : memref<1024xi32, #tpu.memory_space<hbm>> -> memref<32xi32, #tpu.memory_space<hbm>>
      tpu.wait_dma2 semaphore(%run_scoped3A : memref<!tpu.dma_semaphore, #tpu.memory_space<semaphore_mem>>) src(%arg9 : memref<32xi32, #tpu.memory_space<vmem>>) dst(%dma_wait3A_1168 : memref<32xi32, #tpu.memory_space<hbm>>)
      tpu.yield
    }) : () -> ()
    return
  }
}

</mosaic_0001>

<sc_bundles>
// kernel: _sc_argmax.3.cloned.1.call-start
scs
__scs_entry_jumppad:
0x0: {  	(pc) =	sbr.rel $0x88, $3  }
0x1: {  	(tag) =	ssettag $0x0;
	lr =	simm.s32 $0x1  }
0x2: {  	[smem:$0x3F9F] =	sst lr;
	_ =	strace $0xD0000000  }
0x3: {  	_ = 	snop  }
0x4: {  	_ = 	snop  }
0x5: {  	_ = 	snop  }
0x6: {  	_ = 	snop  }
0x7: {  	_ = 	snop  }
__scs_overlays_trampoline_lowered:
0x8: {  	[smem:$0x3FAE] =	sst s0  }
0x9: {  	[smem:$0x3FAF] =	sst s1  }
0xa: {  	[smem:$0x3FB0] =	sst s2  }
0xb: {  	[smem:$0x3FB1] =	sst s3  }
0xc: {  	[smem:$0x3FB2] =	sst s4  }
0xd: {  	[smem:$0x3FB3] =	sst s5  }
0xe: {  	[smem:$0x3FB4] =	sst s6  }
0xf: {  	[smem:$0x3FB5] =	sst s7  }
0x10: {  	[smem:$0x3FB6] =	sst s8  }
0x11: {  	[smem:$0x3FB7] =	sst s9;
	s0 =	simm.s32 @!p0 $0x0  }
0x12: {  	s1 =	sld [smem:$0x3F9D];
	s0 =	simm.s32 @p0 $0x1  }
0x13: {  	[smem:$0x3FB8] =	sst s0;
	s0 =	simm.s32 @!p1 $0x0  }
0x14: {  	s2 =	sld [smem:$0x3F9C];
	s0 =	simm.s32 @p1 $0x1  }
0x15: {  	[smem:$0x3FB9] =	sst s0;
	s0 =	simm.s32 @!p2 $0x0  }
0x16: {  	s3 =	sld [smem:$0x3FDB];
	s0 =	simm.s32 @p2 $0x1  }
0x17: {  	s4 =	simm.s32 $0x1BF5;
	[smem:$0x3FBB] =	sst s0  }
0x18: {  	s0 =	sld [smem:$0x3F9E];
	_ =	swait.ge [sflag:s4], $0x0  }
0x19: {  	s7 =	sld [smem:$0x3F9F]  }
0x1a: {  	s8 =	sadd.s32 $0xFFFFE003, lr  }
0x1b: {  	s9 =	sadd.s32 $0xFFFFFEF7, lr;
	s5 =	simm.s32 $0xFFFFFFFF;
	p2 =	slt.u32 s8, $0xFFFFF086  }
0x1c: {  	p1 =	slt.u32 s9, $0xF7A;
	s5 =	simm.s32 @!p2 $0x0  }
0x1d: {  	s5 =	simm.s32 @p1 $0x1;
	p0 =	seq.s32 s7, s2  }
0x1e: {  	s7 =	smul.u32 @!p0 $0xF7A, s2;
	p2 =	seq.s32 @!p0 s5, $0x0  }
0x1f: {  	s9 =	smul.u32 $0xF7A, s1;
	s8 =	simm.s32 @!p0 $0x1BF5;
	p2 =	por !p2, p0  }
0x20: {  	[sflag:s8] =	ssyncset.s32 @!p0 $0xFFFFF086;
	s6 =	sadd.s32 @!p0 s3, s7;
	s7 =	simm.s32 @!p0 $0x108  }
0x21: {  	s3 =	sadd.s32 s3, s9;
	s6 =	sadd.s32 @!p0 $0x88, s6;
	s7 =	simm.s32 @p2 $0x1082  }
0x22: {  	[simem:s7], [sflag:s8] =	dma.local @!p0 [hbm:s6], $0xF7A  }
0x23: {  	s9 =	sor.u32 $0xD0000000, s2;
	s6 =	simm.s32 $0x108;
	_ =	swait.ge @!p0 [sflag:s8], $0x0  }
0x24: {  	s3 =	sadd.s32 $0x88, s3;
	s6 =	simm.s32 @!p1 $0x1082;
	[sflag:s4] =	ssyncset.s32 $0xFFFFF086  }
0x25: {  	[simem:s6], [sflag:s4] =	dma.local [hbm:s3], $0xF7A  }
0x26: {  	[smem:$0x3F9F] =	sst s1;
	(tag) =	ssettag s2;
	_ =	strace s9  }
0x27: {  	s1 =	sld [smem:$0x3FAF]  }
0x28: {  	s2 =	sld [smem:$0x3FB0]  }
0x29: {  	s4 =	sld [smem:$0x3FB2]  }
0x2a: {  	p0 =	seq.s32 s5, $0x0;
	s5 =	sld [smem:$0x3FB3]  }
0x2b: {  	s6 =	sld [smem:$0x3FB4]  }
0x2c: {  	s7 =	sld [smem:$0x3FB5]  }
0x2d: {  	s3 =	simm.s32 $0x108;
	s8 =	sld [smem:$0x3FB6]  }
0x2e: {  	s3 =	simm.s32 @!p0 $0x1082;
	s9 =	sld [smem:$0x3FB7]  }
0x2f: {  	lr =	sadd.s32 s0, s3;
	s0 =	sld [smem:$0x3FAE]  }
0x30: {  	s3 =	sld [smem:$0x3FB1]  }
0x31: {  	[smem:$0x3FBA] =	sst s10  }
0x32: {  	s10 =	sld [smem:$0x3FB8];
	_ =	sdelay $0x3  }
0x33: {  	p0 =	seq.s32 s10, $0x1;
	s10 =	sld [smem:$0x3FBA];
	_ =	sdelay $0x3  }
0x34: {  	[smem:$0x3FBA] =	sst s10  }
0x35: {  	s10 =	sld [smem:$0x3FB9];
	_ =	sdelay $0x3  }
0x36: {  	p1 =	seq.s32 s10, $0x1;
	s10 =	sld [smem:$0x3FBA];
	_ =	sdelay $0x3  }
0x37: {  	[smem:$0x3FBA] =	sst s10  }
0x38: {  	s10 =	sld [smem:$0x3FBB]  }
0x39: {  	_ = 	snop;
	(pc) =	sbr.ind lr, $3  }
0x3a: {  	_ = 	snop  }
0x3b: {  	_ = 	snop  }
0x3c: {  	p2 =	seq.s32 s10, $0x1;
	s10 =	sld [smem:$0x3FBA]  }
0x3d: {  	_ =	shalt  }
0x3e: {  	_ =	shalt  }
0x3f: {  	_ =	shalt  }
0x40: {  	_ =	shalt  }
0x41: {  	_ =	shalt  }
0x42: {  	_ =	shalt  }
0x43: {  	_ =	shalt  }
0x44: {  	_ =	shalt  }
0x45: {  	_ =	shalt  }
0x46: {  	_ =	shalt  }
0x47: {  	_ =	shalt  }
0x48: {  	_ =	shalt  }
0x49: {  	_ =	shalt  }
0x4a: {  	_ =	shalt  }
0x4b: {  	_ =	shalt  }
0x4c: {  	_ =	shalt  }
0x4d: {  	_ =	shalt  }
0x4e: {  	_ =	shalt  }
0x4f: {  	_ =	shalt  }
0x50: {  	_ =	shalt  }
0x51: {  	_ =	shalt  }
0x52: {  	_ =	shalt  }
0x53: {  	_ =	shalt  }
0x54: {  	_ =	shalt  }
0x55: {  	_ =	shalt  }
0x56: {  	_ =	shalt  }
0x57: {  	_ =	shalt  }
0x58: {  	_ =	shalt  }
0x59: {  	_ =	shalt  }
0x5a: {  	_ =	shalt  }
0x5b: {  	_ =	shalt  }
0x5c: {  	_ =	shalt  }
0x5d: {  	_ =	shalt  }
0x5e: {  	_ =	shalt  }
0x5f: {  	_ =	shalt  }
0x60: {  	_ =	shalt  }
0x61: {  	_ =	shalt  }
0x62: {  	_ =	shalt  }
0x63: {  	_ =	shalt  }
0x64: {  	_ =	shalt  }
0x65: {  	_ =	shalt  }
0x66: {  	_ =	shalt  }
0x67: {  	_ =	shalt  }
0x68: {  	_ =	shalt  }
0x69: {  	_ =	shalt  }
0x6a: {  	_ =	shalt  }
0x6b: {  	_ =	shalt  }
0x6c: {  	_ =	shalt  }
0x6d: {  	_ =	shalt  }
0x6e: {  	_ =	shalt  }
0x6f: {  	_ =	shalt  }
0x70: {  	_ =	shalt  }
0x71: {  	_ =	shalt  }
0x72: {  	_ =	shalt  }
0x73: {  	_ =	shalt  }
0x74: {  	_ =	shalt  }
0x75: {  	_ =	shalt  }
0x76: {  	_ =	shalt  }
0x77: {  	_ =	shalt  }
0x78: {  	_ =	shalt  }
0x79: {  	_ =	shalt  }
0x7a: {  	_ =	shalt  }
0x7b: {  	_ =	shalt  }
0x7c: {  	_ =	shalt  }
0x7d: {  	_ =	shalt  }
0x7e: {  	_ =	shalt  }
0x7f: {  	_ =	shalt  }
0x80: {  	_ =	shalt  }
0x81: {  	_ =	shalt  }
0x82: {  	_ =	shalt  }
0x83: {  	_ =	shalt  }
0x84: {  	_ =	shalt  }
0x85: {  	_ =	shalt  }
0x86: {  	_ =	shalt  }
0x87: {  	_ =	shalt  }
.Lfunc_end0:
.L_simem_size_0:
called_computation_lowered:
.L_overlay_start_0:
0x88: {  	s2 =	sld [smem:$0x3FD9]  }
0x89: {  	s3 =	sld [smem:$0x3FFE];
	_ =	sdelay $0x1  }
0x8a: {  	s1 =	srdreg.scid  }
0x8b: {  	s0 =	sand.u32 $0x1, s1  }
0x8c: {  	s18 =	sshll.u32 s0, $0xA;
	s2 =	sadd.s32 s3, s2  }
0x8d: {  	s2 =	sadd.s32 s2, s18  }
0x8e: {  	[smem:$0x3FC6] =	sst s2  }
0x8f: {  	_ = 	snop  }
0x90: {  	s2 =	sld [smem:$0x3FC9]  }
0x91: {  	s19 =	sld [smem:$0x3FC8]  }
0x92: {  	s4 =	sld [smem:$0x3FD0];
	(tm) =	ssettm $0x1  }
0x93: {  	s5 =	sld [smem:$0x3FFB];
	_ =	sdelay $0x3  }
0x94: {  	_ =	strace s5  }
0x95: {  	s5 =	sld [smem:$0x3FFC];
	_ =	sdelay $0x3  }
0x96: {  	_ =	strace s5  }
0x97: {  	s5 =	sld [smem:$0x3FFD];
	_ =	sdelay $0x3  }
0x98: {  	_ =	strace s5  }
0x99: {  	_ =	strace $0x8FFFFFFF  }
0x9a: {  	s20 =	sld [smem:$0x3FDB];
	_ =	sdelay $0x1  }
0x9b: {  	s6 =	simm.s32 $_scs_section_size  }
0x9c: {  	s7 =	simm.s32 $_size__tile_overlayer_lowered;
	s8 =	simm.s32 $_tile_overlayer_lowered  }
0x9d: {  	s23 =	simm.s32 $0x1BFF;
	s22 =	sshll.u32 s8, $0x1;
	s5 =	sadd.s32 s6, s20  }
0x9e: {  	s9 =	simm.s32 $0x0;
	s21 =	sshll.u32 s7, $0x1;
	s7 =	sadd.s32 s22, s5  }
0x9f: {  	[timem:s9], [sflag:s23] =	dma.local [hbm:s7], s21  }
0xa0: {  	_ =	swait.ge [sflag:s23], s21  }
0xa1: {  	s6 =	ssub.s32 $0x0, s21;
	[sflag:s23] =	ssyncset.done $0x0  }
0xa2: {  	[sflag:s23] =	ssyncadd.s32 s6;
	_ =	sdelay $0x1  }
0xa3: {  	s24 =	simm.s32 $0x1B8B  }
0xa4: {  	_ =	swait.ge [sflag:s24], $0x1  }
0xa5: {  	[sflag:s24] =	ssyncset.done $0x0  }
0xa6: {  	s25 =	simm.s32 $0x1B8E;
	[sflag:s24] =	ssyncadd.s32 $0xFFFFFFFF  }
0xa7: {  	s26 =	simm.s32 $execute0_lowered;
	[smem:$0x3FD2] =	sst s25  }
0xa8: {  	s6 =	sshll.u32 s26, $0x1;
	_ =	strace $0x80000046;
	[dreg:$0x1] =	wrdreg $0xFFFFFFFF  }
0xa9: {  	s28 =	simm.s32 $_size_execute0_lowered;
	s5 =	sadd.s32 s5, s6;
	[dreg:$0x0] =	wrdreg $0x0  }
0xaa: {  	s6 =	sshll.u32 s28, $0x1;
	[dreg:$0x2] =	wrdreg s5  }
0xab: {  	[dreg:$0x3] =	wrdreg s6  }
0xac: {  	[dreg:$0x4] =	wrdreg $0xC0  }
0xad: {  	_ =	task [dreg:s9], $0x5FFFF  }
0xae: {  	[dreg:$0x1] =	wrdreg $0xFFFFFFFF  }
0xaf: {  	[dreg:$0x0] =	wrdreg $0x60  }
0xb0: {  	[dreg:$0x2] =	wrdreg s2  }
0xb1: {  	[dreg:$0x3] =	wrdreg s19  }
0xb2: {  	[dreg:$0x4] =	wrdreg s4  }
0xb3: {  	[dreg:$0x5] =	wrdreg $0x9  }
0xb4: {  	_ =	task.clear_ibuf [dreg:s9], $0x6FFFF;
	_ =	strace $0x90000046  }
0xb5: {  	s29 =	simm.s32 $0x9;
	_ =	strace $0x80000048  }
0xb6: {  	_ =	swait.ge [sflag:s29], $0x1  }
0xb7: {  	[sflag:s29] =	ssyncadd.s32 $0xFFFFFFFF  }
0xb8: {  	_ =	strace $0x90000048  }
0xb9: {  	_ =	sfence  }
0xba: {  	s30 =	sld [smem:$0x0];
	_ =	sdelay $0x2  }
0xbb: {  	s31 =	sshll.u32 s1, $0xD;
	s1 =	sshrl.u32 s1, $0x2  }
0xbc: {  	s3 =	sand.u32 $0x4000, s31;
	s1 =	sadd.s32 s1, s30  }
0xbd: {  	s0 =	sor.u32 s3, s0;
	s1 =	sshll.u32 s1, $0x11  }
0xbe: {  	s0 =	sor.u32 s1, s0  }
0xbf: {  	s0 =	sadd.s32 $0x8F2B, s0  }
0xc0: {  	[sflag:s0] =	ssyncadd.remote.s32 $0x1  }
0xc1: {  	_ =	sfence.sel $0xFFFF  }
0xc2: {  	[dreg:$0x0] =	wrdreg $0xFFFFFFFF;
	(pc) =	sbr.abs _section_cstart, $3  }
0xc3: {  	[dreg:$0x1] =	wrdreg $0xFFFFFFFF  }
0xc4: {  	_ =	task.clear_ibuf [dreg:s9], $0x2FFFF;
	_ =	strace $0x9FFFFFFF  }
0xc5: {  	(tm) =	ssettm $0x7FFFFFFF  }
tec
execute0_lowered:
.L_overlay_start_1:
0x0: {  	(tag) =	ssettag $0x1  }
0x1: {  	v0 =	vlaneseq.u32;
	vm0 =	vcmask $0xB08;
	vm1 =	vcmask $0x300  }
0x2: {  	v5 =	vimm.s32 $0xFFFFFFFF;
	v6 =	vimm.s32 $0xEDCBA987;
	vm2 =	vcmask $0x2320  }
0x3: {  	v7 =	vimm.s32 $0x65432100;
	v8 =	vimm.s32 $0xDCBA9876;
	v9 =	vimm.s32 $0x54321000  }
0x4: {  	v10 =	vimm.s32 $0xBA987654;
	v11 =	vimm.s32 $0x32100000;
	v12 =	vimm.s32 $0x87654321  }
0x5: {  	vm3 =	vcmask $0x3F08;
	vm5 =	vcmask $0x3F30;
	vm4 =	vcmask $0x3F10  }
0x6: {  	vm6 =	vcmask $0x3F3C;
	v1 =	vmul.u32 $0x400, v0;
	vm0 =	vmor vm1, vm0  }
0x7: {  	vm1 =	vcmask $0x1310;
	v6 =	vunpack.c.l.s4.s8 v6;
	v7 =	vunpack.c.l.s4.s8 v7  }
0x8: {  	v8 =	vunpack.c.l.s4.s8 v8;
	v9 =	vunpack.c.l.s4.s8 v9;
	v10 =	vunpack.c.l.s4.s8 v10  }
0x9: {  	s3 =	rddreg [dreg:$0x0];
	v11 =	vunpack.c.l.s4.s8 v11;
	v12 =	vunpack.c.l.s4.s8 v12;
	vm0 =	vmor vm0, vm1  }
0xa: {  	s0 =	srdreg.scid;
	s4 =	rddreg [dreg:$0x1];
	vm1 =	vcmask $0x1B18;
	v4 =	vor.u32 $0x4000, v1;
	v6 =	vunpack.c.0.s8.s32 v6  }
0xb: {  	s1 =	stileid.u32;
	s7 =	rddreg [dreg:$0x2];
	vm1 =	vmor vm0, vm1;
	vm0 =	vmxor vm0, vm0;
	v7 =	vunpack.c.0.s8.s32 v7  }
0xc: {  	s6 =	simm.s32 $0x0;
	s17 =	simm.s32 $0x8000;
	s28 =	simm.s32 $0x3;
	v8 =	vunpack.c.0.s8.s32 v8;
	v9 =	vunpack.c.0.s8.s32 v9;
	v6 =	vand.u32 $0xF, v6  }
0xd: {  	s29 =	simm.s32 $0x10100;
	s30 =	simm.s32 $0x4;
	s31 =	simm.s32 $0x0;
	v10 =	vunpack.c.0.s8.s32 v10;
	vm1 =	vmor vm1, vm2;
	v6 =	vcombine.low v7, v6  }
0xe: {  	s5 =	sand.u32 $0x1, s0;
	s24 =	sshll.u32 s1, $0x1;
	[smem:$0x7FF] =	sst s6;
	v7 =	vand.u32 $0xF, v8;
	v8 =	vunpack.c.0.s8.s32 v11;
	v11 =	vimm.s32 $0xFFEDCBA9  }
0xf: {  	s0 =	sor.u32 s5, s24;
	_ =	strace $0x80000047;
	s5 =	ssub.s32 $0x2, s5;
	v7 =	vcombine.low v9, v7;
	v9 =	vand.u32 $0xF, v10;
	v10 =	vimm.s32 $0xE40000  }
0x10: {  	s1 =	sshll.u32 s0, $0x5;
	s8 =	smax.u32 s0, $0x1;
	s25 =	sshrl.u32 s5, $0x1;
	vm2 =	vcmask $0x2B28;
	v11 =	vunpack.c.l.s4.s8 v11;
	v10 =	vunpack.c.l.s2.s4 v10  }
0x11: {  	s0 =	sshll.u32 s0, $0x2;
	v12 =	vunpack.c.0.s8.s32 v12;
	s2 =	sadd.s32 $0x20, s1;
	v2 =	vmov s1;
	s14 =	smin.u32 s8, $0x1E;
	vm1 =	vmor vm1, vm2  }
0x12: {  	s5 =	ssub.s32 s5, s25;
	s15 =	sadd.s32 s7, s0;
	s18 =	sadd.s32 $0xFFFFFFFF, s14;
	vm2 =	vcmask $0x3330;
	v11 =	vunpack.c.0.s8.s32 v11;
	v10 =	vunpack.c.l.s4.s8 v10  }
.Ltmp0:
0x13: {  	s25 =	simm.s32 $0x1;
	v3 =	vmov s2;
	s11 =	sshll.u32 s18, $0x7;
	vm1 =	vmor vm1, vm2;
	vm2 =	vcmask $0x3B38;
	(pc) =	sbr.rel .LBB2_1-.Ltmp0, $4  }
0x14: {  	s14 =	sadd.s32 $0x2, s14;
	s16 =	smax.u32 s5, $0x1;
	s26 =	sadd.s32 s4, s11;
	v11 =	vcombine.low v12, v11;
	v12 =	vimm.s32 $0x7060504;
	v10 =	vunpack.c.0.s8.s32 v10  }
0x15: {  	s12 =	sadd.s32 $0x80, s11;
	s9 =	sadd.s32 s3, s11;
	s13 =	sadd.s32 $0x100, s11;
	vm1 =	vmor vm1, vm2;
	v8 =	vcombine.low v8, v9;
	v12 =	vunpack.c.0.s8.s32 v12  }
0x16: {  	[dreg:$0x4] =	wrdreg s26;
	s10 =	sadd.s32 s4, s12;
	s11 =	sadd.s32 s3, s12;
	v9 =	vshrl.u32 v0, $0x1;
	v11 =	vand.u32 $0xF, v11;
	v10 =	vand.u32 $0x3, v10  }
0x17: {  	s12 =	sadd.s32 s4, s13;
	s13 =	sadd.s32 s3, s13;
	s26 =	simm.s32 $0x2;
	v10 =	vsel vm5, v12, v10;
	vm5 =	vcmask $0x3F20;
	v12 =	vor.u32 $0x8, v9  }
.LBB2_13:
0x18: {  	v14 =	vimm.s32 $0x0  }
0x19: {  	v19 =	vimm.f32 $-Inf;
	v16 =	vimm.s32 $0xFFFFFFFF;
	v15 =	vimm.s32 $0xFFFFFFFF  }
0x1a: {  	v13 =	vimm.s32 $0xFFFFFFFF;
	vm8 =	vmmov vm0;
	v20 =	vimm.f32 $-Inf  }
0x1b: {  	v17 =	vimm.s32 $0xFFFFFFFF;
	v18 =	vimm.s32 $0x0;
	vm7 =	vmmov vm0  }
.LBB2_21:
0x1c: {  	v21 =	vnsel vm8, $0xFFFFFFFF, v16  }
0x1d: {  	v22 =	vnsel vm7, $0xFFFFFFFF, v13;
	v20 =	vnsel vm7, $0xFF800000, v20;
	v19 =	vnsel vm8, $0xFF800000, v19  }
0x1e: {  	v18 =	vnsel vm7, $0x40000000, v18;
	v17 =	vnsel vm7, $0xFFFFFFFF, v17;
	v23 =	vperm.xlane v20, v9  }
0x1f: {  	v14 =	vnsel vm8, $0x40000000, v14;
	v24 =	vperm.xlane v19, v9;
	v26 =	vperm.xlane v18, v9  }
0x20: {  	v15 =	vnsel vm8, $0xFFFFFFFF, v15;
	v27 =	vperm.xlane v14, v9;
	v62 =	vperm.xlane v17, v9  }
0x21: {  	v21 =	vsel vm7, v13, v21;
	v63 =	vperm.xlane v15, v9;
	v20 =	vperm.xlane v20, v12  }
0x22: {  	v59 =	vsel vm8, v16, v22;
	v19 =	vperm.xlane v19, v12;
	v17 =	vperm.xlane v17, v12  }
0x23: {  	v60 =	vperm.xlane v21, v9;
	v13 =	vperm.xlane v59, v9  }
0x24: {  	v18 =	vperm.xlane v18, v12;
	v14 =	vperm.xlane v14, v12  }
0x25: {  	v15 =	vperm.xlane v15, v12;
	v23 =	vsel vm1, v23, v24;
	v22 =	vsel vm1, v60, v13  }
0x26: {  	vm11 =	vcmask $0x3F04;
	v25 =	vperm.xlane v23, v6;
	v61 =	vperm.xlane v22, v6  }
0x27: {  	v21 =	vperm.xlane v21, v12;
	v16 =	vperm.xlane v59, v12;
	v26 =	vsel vm1, v26, v27  }
0x28: {  	v24 =	vsel vm1, v62, v63;
	vm7 =	vgt.f32 v23, v25;
	vm2 =	veq.s32 v61, v22  }
0x29: {  	v19 =	vsel vm1, v20, v19;
	vm7 =	vmneg vm7;
	vm2 =	vmand vm2, vm11  }
0x2a: {  	v14 =	vsel vm1, v18, v14;
	v28 =	vperm.xlane v26, v6;
	vm7 =	vmand vm2, vm7  }
0x2b: {  	v27 =	vperm.xlane v24, v6;
	v47 =	vperm.xlane v19, v6;
	v23 =	vsel vm7, v25, v23  }
0x2c: {  	v15 =	vsel vm1, v17, v15;
	v32 =	vperm.xlane v22, v7;
	v29 =	vperm.xlane v23, v7  }
0x2d: {  	v16 =	vsel vm1, v21, v16;
	v18 =	vperm.xlane v14, v6;
	v51 =	vperm.xlane v15, v6  }
0x2e: {  	vm8 =	vlt.s32 v26, v28;
	vm9 =	veq.s32 v32, v22;
	vm10 =	vgt.f32 v23, v29  }
0x2f: {  	v33 =	vsel vm8, v26, v28;
	vm8 =	vmand vm9, vm3;
	vm12 =	vmneg vm10  }
0x30: {  	v13 =	vbroadcast v13, $0xF;
	v25 =	vsel vm2, v33, v26;
	vm2 =	vmand vm8, vm12  }
0x31: {  	v34 =	vperm.xlane v22, v8;
	v26 =	vperm.xlane v25, v7;
	v23 =	vsel vm2, v29, v23  }
0x32: {  	v39 =	vperm.xlane v22, v10;
	v24 =	vsel vm7, v27, v24;
	v35 =	vperm.xlane v23, v8  }
0x33: {  	vm13 =	veq.s32 v34, v22;
	v36 =	vperm.xlane v24, v7;
	vm7 =	vlt.s32 v25, v26  }
0x34: {  	v26 =	vsel vm7, v25, v26;
	vm7 =	vmand vm13, vm4;
	vm14 =	vgt.f32 v23, v35  }
0x35: {  	v25 =	vsel vm8, v26, v25;
	v24 =	vsel vm2, v36, v24;
	vm15 =	vmneg vm14  }
0x36: {  	v38 =	vperm.xlane v25, v8;
	v37 =	vperm.xlane v24, v8;
	vm2 =	vmand vm7, vm15  }
0x37: {  	v45 =	vperm.xlane v22, v11;
	v21 =	vperm.xlane v16, v6;
	v23 =	vsel vm2, v35, v23  }
0x38: {  	v24 =	vsel vm2, v37, v24;
	vm2 =	vlt.s32 v25, v38;
	v40 =	vperm.xlane v23, v10  }
0x39: {  	v49 =	vperm.xlane v16, v7;
	v41 =	vsel vm2, v25, v38;
	vm2 =	veq.s32 v39, v22  }
0x3a: {  	v42 =	vperm.xlane v24, v10;
	v25 =	vsel vm7, v41, v25;
	vm8 =	vgt.f32 v23, v40  }
0x3b: {  	vm2 =	vmand vm2, vm5;
	v43 =	vperm.xlane v25, v10;
	vm7 =	vmneg vm8  }
0x3c: {  	v52 =	vperm.xlane v16, v8;
	v54 =	vperm.xlane v16, v10;
	vm7 =	vmand vm2, vm7  }
0x3d: {  	vm8 =	vlt.s32 v25, v43;
	v23 =	vsel vm7, v40, v23;
	v24 =	vsel vm7, v42, v24  }
0x3e: {  	v44 =	vsel vm8, v25, v43;
	vm7 =	veq.s32 v21, v16;
	vm8 =	vgt.f32 v19, v47  }
0x3f: {  	v58 =	vperm.xlane v16, v11;
	vm7 =	vmand vm7, vm11;
	vm8 =	vmneg vm8  }
0x40: {  	vm13 =	vlt.s32 v14, v18;
	vm12 =	vne.s32 v45, v22;
	vm8 =	vmand vm7, vm8  }
0x41: {  	v18 =	vsel vm13, v14, v18;
	vm9 =	vmor vm12, vm6;
	v48 =	vsel vm8, v47, v19  }
0x42: {  	v46 =	vsel vm2, v44, v25;
	v14 =	vsel vm7, v18, v14;
	v50 =	vperm.xlane v48, v7  }
0x43: {  	vm2 =	vgt.s32 v22, $0xFFFFFFFF;
	vm7 =	veq.s32 v49, v16;
	v18 =	vperm.xlane v14, v7  }
0x44: {  	v22 =	vsub.s32 v22, v2;
	vm15 =	vmand vm7, vm3;
	vm14 =	vgt.f32 v48, v50  }
0x45: {  	v15 =	vsel vm8, v51, v15;
	vm8 =	vlt.s32 v14, v18;
	vm10 =	vmneg vm14  }
0x46: {  	v59 =	vbroadcast v23, $0xF;
	v18 =	vsel vm8, v14, v18;
	vm12 =	vmand vm15, vm10  }
0x47: {  	vm7 =	vmand vm2, vm9;
	v14 =	vsel vm15, v18, v14;
	v17 =	vsel vm12, v50, v48  }
0x48: {  	vm2 =	vgt.s32 v22, $0x0;
	v18 =	vperm.xlane v14, v8;
	v21 =	vperm.xlane v17, v8  }
0x49: {  	v61 =	vbroadcast v24, $0xF;
	v22 =	vnsel vm2, $0x0, v22;
	v25 =	vperm.xlane v15, v7  }
0x4a: {  	vm2 =	veq.s32 v52, v16;
	vm13 =	vlt.s32 v14, v18;
	vm8 =	vgt.f32 v17, v21  }
0x4b: {  	vm2 =	vmand vm2, vm4;
	v18 =	vsel vm13, v14, v18;
	vm8 =	vmneg vm8  }
0x4c: {  	v15 =	vsel vm12, v25, v15;
	v14 =	vsel vm2, v18, v14;
	vm8 =	vmand vm2, vm8  }
0x4d: {  	v53 =	vperm.xlane v15, v8;
	v56 =	vperm.xlane v14, v10;
	v17 =	vsel vm8, v21, v17  }
0x4e: {  	v60 =	vbroadcast v46, $0xF;
	v22 =	vmin.u32 v22, $0x1F;
	v55 =	vperm.xlane v17, v10  }
0x4f: {  	vm2 =	veq.s32 v54, v16;
	v15 =	vsel vm8, v53, v15;
	vm14 =	vlt.s32 v14, v56  }
0x50: {  	vm2 =	vmand vm2, vm5;
	v19 =	vsel vm14, v14, v56;
	vm8 =	vgt.f32 v17, v55  }
0x51: {  	vm12 =	vne.s32 v58, v16;
	v14 =	vsel vm2, v19, v14;
	vm8 =	vmneg vm8  }
0x52: {  	vm8 =	vmand vm2, vm8;
	vm2 =	veq.s32 v16, v13;
	v13 =	vsub.s32 v16, v2  }
0x53: {  	vm15 =	vgt.s32 v16, $0xFFFFFFFF;
	vm10 =	vmor vm12, vm6;
	vm13 =	vgt.s32 v13, $0x0  }
0x54: {  	vm10 =	vmand vm15, vm10;
	v17 =	vsel vm8, v55, v17;
	v13 =	vnsel vm13, $0x0, v13  }
0x55: {  	v57 =	vperm.xlane v15, v10;
	vm14 =	vgt.f32 v17, v59;
	v13 =	vmin.u32 v13, $0x1F  }
0x56: {  	vm2 =	vmand vm2, vm15;
	vm15 =	vlt.s32 v14, v60;
	vm9 =	vmneg vm14  }
0x57: {  	v15 =	vsel vm8, v57, v15;
	v62 =	vsel vm15, v14, v60;
	vm8 =	vmand vm2, vm9  }
0x58: {  	s31 =	sadd.s32 $0x1, s31;
	v63 =	vsub.s32 v24, v46;
	v14 =	vsel vm2, v62, v14;
	v15 =	vsel vm8, v61, v15  }
0x59: {  	p0 =	sne.s32 s31, s16;
	[tilespmem:v22+s29+$0x0] =	vst.idx.msk vm7, v63;
	v14 =	vsub.s32 v15, v14  }
.Ltmp1:
0x5a: {  	[tilespmem:v13+s29+$0x0] =	vst.idx.msk vm10, v14;
	(pc) =	sbr.rel @!p0 .LBB2_22-.Ltmp1, $4  }
0x5b: {  	[hbm4b:s15+s6] =	stream.linear.scatter [tilespmem:s29], [sflag:$0x4], $0x20, $0x38;
	[tilespmem:$0x10180] =	vst v63  }
0x5c: {  	_ =	swait.ge [sflag:s30], $0x20  }
0x5d: {  	[sflag:s30] =	ssyncset.done $0x0  }
0x5e: {  	[sflag:s30] =	ssyncadd.s32 $0xFFFFFFE0  }
.LBB2_1:
0x5f: {  	s0 =	rddreg [dreg:$0x4]  }
0x60: {  	[tilespmem:s17], [sflag:$0x2] =	stream.linear.gather [hbm4b:s0+s6], $0x400, $0x38;
	[tilespmem:$0x10180] =	vst v63  }
0x61: {  	_ = 	snop  }
0x62: {  	[tilespmem:s6], [sflag:$0x3] =	stream.linear.gather [hbm4b:s9+s6], $0x400, $0x38;
	[tilespmem:$0x10180] =	vst v63  }
0x63: {  	s5 =	simm.s32 $0x8400  }
0x64: {  	[tilespmem:s5], [sflag:$0x2] =	stream.linear.gather [hbm4b:s10+s6], $0x400, $0x38;
	[tilespmem:$0x10180] =	vst v63  }
0x65: {  	s7 =	simm.s32 $0x400  }
0x66: {  	[tilespmem:s7], [sflag:$0x3] =	stream.linear.gather [hbm4b:s11+s6], $0x400, $0x38;
	[tilespmem:$0x10180] =	vst v63  }
0x67: {  	s8 =	simm.s32 $0x8800  }
0x68: {  	[tilespmem:s8], [sflag:$0x2] =	stream.linear.gather [hbm4b:s12+s6], $0x400, $0x38;
	[tilespmem:$0x10180] =	vst v63  }
0x69: {  	s19 =	simm.s32 $0x800  }
0x6a: {  	[tilespmem:s19], [sflag:$0x3] =	stream.linear.gather [hbm4b:s13+s6], $0x400, $0x38;
	[tilespmem:$0x10180] =	vst v63  }
0x6b: {  	[tilespmem:$0x10000] =	vst v1  }
0x6c: {  	s20 =	simm.s32 $0x20;
	s5 =	simm.s32 $0x10000;
	s7 =	simm.s32 $0x10080;
	[tilespmem:$0x10010] =	vst v4  }
0x6d: {  	[tilespmem:s7], [sflag:$0x1] =	stream.indirect.gather [hbm4b:s4+s20], $0x1, s5, s20, $0xb8;
	[tilespmem:$0x10180] =	vst v63  }
0x6e: {  	_ =	swait.ge [sflag:s25], $0x20  }
0x6f: {  	[sflag:s25] =	ssyncset.done $0x0  }
0x70: {  	[sflag:s25] =	ssyncadd.s32 $0xFFFFFFE0  }
0x71: {  	v13 =	vld [tilespmem:$0x10080];
	_ =	sdelay $0x1  }
0x72: {  	v14 =	vld [tilespmem:$0x10090];
	_ =	sdelay $0x2  }
0x73: {  	vm7 =	vlt.s32 v13, v2  }
0x74: {  	v15 =	vmpcnt.ones.xlane vm7;
	vm7 =	vlt.s32 v13, v3  }
0x75: {  	v13 =	vmpcnt.ones.xlane vm7;
	vm7 =	vlt.s32 v14, v2  }
0x76: {  	(v2sf) =	vpush v15, $0x0;
	v15 =	vmpcnt.ones.xlane vm7;
	vm7 =	vlt.s32 v14, v3  }
0x77: {  	(v2sf) =	vpush v13, $0x0;
	v13 =	vmpcnt.ones.xlane vm7  }
0x78: {  	(v2sf) =	vpush v15, $0x0  }
0x79: {  	(v2sf) =	vpush v13, $0x0;
	_ =	sdelay $0xb  }
0x7a: {  	s21 =	spop (v2sf)  }
0x7b: {  	s22 =	spop (v2sf)  }
0x7c: {  	[tilespmem:$0x10100] =	vst v5;
	s23 =	spop (v2sf)  }
0x7d: {  	[tilespmem:$0x10110] =	vst v5;
	s19 =	spop (v2sf)  }
0x7e: {  	_ =	swait.ge [sflag:s26], $0x400  }
0x7f: {  	[sflag:s26] =	ssyncset.done $0x0  }
0x80: {  	s0 =	sadd.s32 s23, s21;
	[sflag:s26] =	ssyncadd.s32 $0xFFFFFC00  }
0x81: {  	s7 =	sadd.s32 $0xFFFFFFFF, s0;
	_ =	swait.ge [sflag:s28], $0x400  }
0x82: {  	p0 =	sgt.s32 s7, $0x0;
	[sflag:s28] =	ssyncset.done $0x0  }
0x83: {  	s24 =	sadd.s32 s22, s19;
	s7 =	simm.s32 @!p0 $0x0;
	[sflag:s28] =	ssyncadd.s32 $0xFFFFFC00  }
0x84: {  	p0 =	sgt.s32 s24, $0x0;
	s5 =	ssub.s32 s24, s7;
	_ =	swait.ge [sflag:s26], $0x400  }
0x85: {  	s5 =	simm.s32 @!p0 $0x0;
	[sflag:s26] =	ssyncset.done $0x0  }
0x86: {  	p0 =	slt.u32 s7, s18;
	s0 =	sadd.s32 s7, s5;
	[sflag:s26] =	ssyncadd.s32 $0xFFFFFC00  }
0x87: {  	p1 =	sle.s32 @!p0 s0, s14;
	_ =	swait.ge [sflag:s28], $0x400  }
0x88: {  	p0 =	por p0, !p1;
	[sflag:s28] =	ssyncset.done $0x0  }
0x89: {  	p1 =	slt.s32 @p0 s5, $0x1;
	[sflag:s28] =	ssyncadd.s32 $0xFFFFFC00  }
0x8a: {  	p1 =	por !p0, p1;
	_ =	swait.ge [sflag:s26], $0x400  }
.Ltmp2:
0x8b: {  	[sflag:s26] =	ssyncset.done $0x0;
	(pc) =	sbr.rel @p1 .LBB2_2-.Ltmp2, $4  }
0x8c: {  	[sflag:s26] =	ssyncadd.s32 $0xFFFFFC00  }
0x8d: {  	_ =	swait.ge [sflag:s28], $0x400  }
0x8e: {  	[sflag:s28] =	ssyncset.done $0x0  }
0x8f: {  	[sflag:s28] =	ssyncadd.s32 $0xFFFFFC00  }
0x90: {  	s21 =	sshll.u32 s7, $0x7  }
0x91: {  	p0 =	sne.s32 s5, $0x1;
	s20 =	sand.u32 $0x1FFFFF80, s21  }
.Ltmp3:
0x92: {  	s0 =	simm.s32 $0x8000;
	s19 =	sadd.s32 s4, s20;
	(pc) =	sbr.rel @!p0 .LBB2_5-.Ltmp3, $4  }
0x93: {  	[tilespmem:s0], [sflag:$0x2] =	stream.linear.gather [hbm4b:s19+s6], $0x400, $0x38;
	[tilespmem:$0x10180] =	vst v63  }
0x94: {  	s20 =	sadd.s32 s3, s20;
	s19 =	simm.s32 $0x0  }
0x95: {  	[tilespmem:s19], [sflag:$0x3] =	stream.linear.gather [hbm4b:s20+s6], $0x400, $0x38;
	[tilespmem:$0x10180] =	vst v63  }
0x96: {  	s21 =	sadd.s32 $0x80, s21;
	s20 =	sadd.s32 $0xFFFFFFFF, s5  }
.LBB2_4:
0x97: {  	s22 =	sand.u32 $0x1FFFFF80, s21;
	p1 =	sne.s32 s20, $0x1;
	s20 =	sadd.s32 $0xFFFFFFFF, s20  }
.Ltmp4:
0x98: {  	s0 =	sadd.s32 $0x400, s0;
	s23 =	sadd.s32 s4, s22;
	(pc) =	sbr.rel @p1 .LBB2_4-.Ltmp4, $4  }
0x99: {  	[tilespmem:s0], [sflag:$0x2] =	stream.linear.gather [hbm4b:s23+s6], $0x400, $0x38;
	[tilespmem:$0x10180] =	vst v63  }
0x9a: {  	s19 =	sadd.s32 $0x400, s19;
	s22 =	sadd.s32 s3, s22  }
0x9b: {  	[tilespmem:s19], [sflag:$0x3] =	stream.linear.gather [hbm4b:s22+s6], $0x400, $0x38;
	[tilespmem:$0x10180] =	vst v63  }
0x9c: {  	s21 =	sadd.s32 $0x80, s21  }
.LBB2_5:
.Ltmp5:
0x9d: {  	_ =	swait.ge [sflag:s26], $0x400;
	(pc) =	sbr.rel @!p0 .LBB2_7-.Ltmp5, $4  }
0x9e: {  	[sflag:s26] =	ssyncset.done $0x0  }
0x9f: {  	[sflag:s26] =	ssyncadd.s32 $0xFFFFFC00  }
0xa0: {  	_ =	swait.ge [sflag:s28], $0x400  }
0xa1: {  	s0 =	sadd.s32 $0xFFFFFFFF, s5;
	[sflag:s28] =	ssyncset.done $0x0  }
.LBB2_6:
0xa2: {  	p0 =	sne.s32 s0, $0x1;
	s0 =	sadd.s32 $0xFFFFFFFF, s0;
	[sflag:s28] =	ssyncadd.s32 $0xFFFFFC00  }
.Ltmp6:
0xa3: {  	_ =	swait.ge [sflag:s26], $0x400;
	(pc) =	sbr.rel @p0 .LBB2_6-.Ltmp6, $4  }
0xa4: {  	[sflag:s26] =	ssyncset.done $0x0  }
0xa5: {  	[sflag:s26] =	ssyncadd.s32 $0xFFFFFC00  }
0xa6: {  	_ =	swait.ge [sflag:s28], $0x400  }
0xa7: {  	[sflag:s28] =	ssyncset.done $0x0  }
.LBB2_7:
.Ltmp7:
0xa8: {  	(pc) =	sbr.rel .LBB2_8-.Ltmp7, $2  }
0xa9: {  	_ =	sdelay $0x2  }
0xaa: {  	[sflag:s28] =	ssyncadd.s32 $0xFFFFFC00;
	s0 =	smov.u32 s7  }
.LBB2_2:
0xab: {  	s0 =	smov.u32 s18  }
0xac: {  	s0 =	smov.u32 @p0 s7  }
.LBB2_8:
0xad: {  	s19 =	ssub.s32 s7, s0;
	s20 =	simm.s32 $0x0;
	s22 =	simm.s32 $0x40  }
0xae: {  	s23 =	simm.s32 $0x40;
	s21 =	simm.s32 $0x5;
	s19 =	sshll.u32 s19, $0xA  }
.LBB2_9:
0xaf: {  	s24 =	smov.u32 s22  }
0xb0: {  	p0 =	sne.s32 s21, $0x1;
	s22 =	sand.u32 $0x1, s23  }
0xb1: {  	p1 =	slt.s32 s23, $0x1;
	p2 =	seq.s32 s22, $0x1  }
0xb2: {  	s22 =	sshrl.u32 s23, $0x1F;
	p1 =	por !p1, !p2  }
0xb3: {  	s22 =	sadd.s32 s22, s23;
	s23 =	simm.s32 $0x1;
	p1 =	por !p1, !p1  }
0xb4: {  	s22 =	sshra.s32 s22, $0x1;
	s23 =	simm.s32 @!p1 $0x0  }
0xb5: {  	s22 =	ssub.s32 s22, s23  }
0xb6: {  	s23 =	sshll.u32 s22, $0x4  }
0xb7: {  	s8 =	sadd.s32 s19, s23  }
0xb8: {  	s23 =	sand.u32 $0x70, s23;
	s8 =	sand.u32 $0xFFFFFF80, s8  }
0xb9: {  	s8 =	sor.u32 s23, s8  }
0xba: {  	v13 =	vld [tilespmem:s8+$0x8000];
	_ =	sdelay $0x4  }
0xbb: {  	(v2sf) =	vpush v13, $0x0;
	_ =	sdelay $0xd  }
.Ltmp8:
0xbc: {  	(pc) =	sbr.rel @p0 .LBB2_9-.Ltmp8, $4  }
0xbd: {  	s8 =	spop (v2sf)  }
0xbe: {  	p1 =	slt.s32 s8, s1;
	s8 =	sadd.s32 $0x1, s22  }
0xbf: {  	s20 =	smov.u32 @p1 s8;
	s22 =	smov.u32 @p1 s24  }
0xc0: {  	s21 =	sadd.s32 $0xFFFFFFFF, s21;
	s23 =	sadd.s32 s20, s22  }
0xc1: {  	s8 =	sand.u32 $0x1, s23  }
0xc2: {  	p0 =	slt.s32 s23, $0x1;
	p1 =	seq.s32 s8, $0x1  }
0xc3: {  	s22 =	sshrl.u32 s23, $0x1F;
	p0 =	por !p0, !p1  }
0xc4: {  	s21 =	simm.s32 $0x1;
	s8 =	sadd.s32 s22, s23;
	p0 =	por !p0, !p0  }
0xc5: {  	s8 =	sshra.s32 s8, $0x1;
	s21 =	simm.s32 @!p0 $0x0  }
0xc6: {  	s8 =	ssub.s32 s8, s21  }
0xc7: {  	s21 =	sshll.u32 s8, $0x4  }
0xc8: {  	s22 =	sadd.s32 s19, s21  }
0xc9: {  	s21 =	sand.u32 $0x70, s21;
	s22 =	sand.u32 $0xFFFFFF80, s22  }
0xca: {  	s21 =	sor.u32 s21, s22  }
0xcb: {  	v13 =	vld [tilespmem:s21+$0x8000];
	_ =	sdelay $0x4  }
0xcc: {  	(v2sf) =	vpush v13, $0x0;
	_ =	sdelay $0xe  }
0xcd: {  	s24 =	spop (v2sf)  }
0xce: {  	s8 =	sadd.s32 $0x1, s8;
	p0 =	slt.s32 s24, s1  }
0xcf: {  	s20 =	smov.u32 @p0 s8  }
0xd0: {  	p0 =	sgt.s32 s20, $0x1  }
0xd1: {  	s20 =	simm.s32 @!p0 $0x1  }
0xd2: {  	s22 =	sshll.u32 s20, $0x4  }
0xd3: {  	s8 =	sadd.s32 $0xFFFFFFF0, s22  }
0xd4: {  	s19 =	sadd.s32 s19, s8  }
0xd5: {  	s8 =	sand.u32 $0x70, s8;
	s23 =	sand.u32 $0xFFFFFF80, s19  }
0xd6: {  	s8 =	sor.u32 s8, s23  }
0xd7: {  	v13 =	vld [tilespmem:s8+$0x8000];
	_ =	sdelay $0x1  }
0xd8: {  	p0 =	sgt.s32 s5, $0x1;
	s8 =	smov.u32 s5  }
0xd9: {  	s8 =	simm.s32 @!p0 $0x1  }
0xda: {  	s24 =	sxor.u32 $0xFFFFFFFF, s0;
	s7 =	sadd.s32 s7, s8  }
0xdb: {  	s21 =	simm.s32 $0x5;
	s20 =	simm.s32 $0x0;
	s7 =	sadd.s32 s24, s7;
	vm7 =	vlt.s32 v13, v2  }
0xdc: {  	s22 =	simm.s32 $0x40;
	s23 =	simm.s32 $0x40;
	s7 =	sshll.u32 s7, $0xA;
	v13 =	vmpcnt.ones.xlane vm7  }
.LBB2_11:
0xdd: {  	s8 =	smov.u32 s22  }
0xde: {  	p0 =	sne.s32 s21, $0x1;
	s22 =	sand.u32 $0x1, s23  }
0xdf: {  	p1 =	slt.s32 s23, $0x1;
	p2 =	seq.s32 s22, $0x1  }
0xe0: {  	s22 =	sshrl.u32 s23, $0x1F;
	p1 =	por !p1, !p2  }
0xe1: {  	s22 =	sadd.s32 s22, s23;
	s23 =	simm.s32 $0x1;
	p1 =	por !p1, !p1  }
0xe2: {  	s22 =	sshra.s32 s22, $0x1;
	s23 =	simm.s32 @!p1 $0x0  }
0xe3: {  	s22 =	ssub.s32 s22, s23  }
0xe4: {  	s23 =	sshll.u32 s22, $0x4  }
0xe5: {  	s24 =	sadd.s32 s7, s23  }
0xe6: {  	s23 =	sand.u32 $0x70, s23;
	s24 =	sand.u32 $0xFFFFFF80, s24  }
0xe7: {  	s23 =	sor.u32 s23, s24  }
0xe8: {  	v14 =	vld [tilespmem:s23+$0x8000];
	_ =	sdelay $0x4  }
0xe9: {  	(v2sf) =	vpush v14, $0x0;
	_ =	sdelay $0xd  }
.Ltmp9:
0xea: {  	(pc) =	sbr.rel @p0 .LBB2_11-.Ltmp9, $4  }
0xeb: {  	s23 =	spop (v2sf)  }
0xec: {  	p1 =	slt.s32 s23, s2;
	s23 =	sadd.s32 $0x1, s22  }
0xed: {  	s20 =	smov.u32 @p1 s23;
	s22 =	smov.u32 @p1 s8  }
0xee: {  	s21 =	sadd.s32 $0xFFFFFFFF, s21;
	s23 =	sadd.s32 s20, s22  }
0xef: {  	s8 =	sand.u32 $0x1, s23  }
0xf0: {  	p0 =	slt.s32 s23, $0x1;
	p1 =	seq.s32 s8, $0x1  }
0xf1: {  	s21 =	sshrl.u32 s23, $0x1F;
	p0 =	por !p0, !p1  }
0xf2: {  	s8 =	sadd.s32 s21, s23;
	s21 =	simm.s32 $0x1;
	p0 =	por !p0, !p0  }
0xf3: {  	s8 =	sshra.s32 s8, $0x1;
	s21 =	simm.s32 @!p0 $0x0  }
0xf4: {  	s8 =	ssub.s32 s8, s21  }
0xf5: {  	s21 =	sshll.u32 s8, $0x4  }
0xf6: {  	s22 =	sadd.s32 s7, s21  }
0xf7: {  	s21 =	sand.u32 $0x70, s21;
	s22 =	sand.u32 $0xFFFFFF80, s22  }
0xf8: {  	s21 =	sor.u32 s21, s22  }
0xf9: {  	v14 =	vld [tilespmem:s21+$0x8000];
	_ =	sdelay $0x4  }
0xfa: {  	(v2sf) =	vpush v14, $0x0;
	_ =	sdelay $0xe  }
0xfb: {  	s22 =	spop (v2sf)  }
0xfc: {  	s8 =	sadd.s32 $0x1, s8;
	p0 =	slt.s32 s22, s2  }
0xfd: {  	s20 =	smov.u32 @p0 s8  }
0xfe: {  	p0 =	sgt.s32 s20, $0x1  }
0xff: {  	s20 =	simm.s32 @!p0 $0x1  }
0x100: {  	s23 =	sshll.u32 s20, $0x4  }
0x101: {  	s8 =	sadd.s32 $0xFFFFFFF0, s23  }
0x102: {  	s24 =	sadd.s32 s7, s8  }
0x103: {  	s8 =	sand.u32 $0x70, s8;
	s7 =	sand.u32 $0xFFFFFF80, s24  }
0x104: {  	s7 =	sor.u32 s8, s7  }
0x105: {  	v14 =	vld [tilespmem:s7+$0x8000];
	_ =	sdelay $0x4  }
0x106: {  	vm7 =	vlt.s32 v14, v3  }
0x107: {  	v14 =	vmpcnt.ones.xlane vm7  }
0x108: {  	(v2sf) =	vpush v13, $0x0  }
0x109: {  	(v2sf) =	vpush v14, $0x0;
	_ =	sdelay $0xd  }
0x10a: {  	s8 =	spop (v2sf)  }
0x10b: {  	s21 =	spop (v2sf)  }
0x10c: {  	s7 =	sadd.s32 s19, s8;
	s19 =	sadd.s32 s24, s21  }
0x10d: {  	s8 =	ssub.s32 s19, s7  }
0x10e: {  	p0 =	sgt.s32 s8, $0x0  }
0x10f: {  	s8 =	simm.s32 @!p0 $0x0  }
0x110: {  	s8 =	sadd.s32 $0xF, s8  }
0x111: {  	s22 =	sand.u32 $0xF, s8  }
0x112: {  	s23 =	sshra.s32 s8, $0x1F;
	p5 =	slt.s32 s8, $0x0;
	p6 =	sne.s32 s22, $0x0  }
0x113: {  	s24 =	sshrl.u32 s23, $0x1C;
	p0 =	por !p5, !p6  }
0x114: {  	s20 =	simm.s32 $0x1;
	s8 =	sadd.s32 s24, s8;
	p0 =	por !p0, !p0  }
0x115: {  	s8 =	sshra.s32 s8, $0x4;
	s20 =	simm.s32 @!p0 $0x0  }
0x116: {  	p0 =	sgt.s32 s5, $0x0;
	s5 =	ssub.s32 s8, s20  }
0x117: {  	s5 =	simm.s32 @!p0 $0x0  }
0x118: {  	p0 =	slt.s32 s5, $0x1  }
.Ltmp10:
0x119: {  	_ = 	snop;
	(pc) =	sbr.rel @p0 .LBB2_13-.Ltmp10, $1  }
0x11a: {  	_ =	sdelay $0x3  }
0x11b: {  	v13 =	vmul.u32 s5, v0;
	s8 =	sadd.s32 $0xFFFFFFFF, s19;
	p1 =	sne.s32 s5, $0x1  }
.Ltmp11:
0x11c: {  	p0 =	sgt.s32 s8, $0x0;
	(pc) =	sbr.rel @!p1 .LBB2_15-.Ltmp11, $4  }
0x11d: {  	v20 =	vadd.s32 s7, v13;
	s8 =	simm.s32 @!p0 $0x0;
	s7 =	simm.s32 $0x0  }
0x11e: {  	v14 =	vimm.f32 $-Inf;
	v22 =	vmov s8;
	v17 =	vadd.s32 s7, v20  }
0x11f: {  	s0 =	sshll.u32 s0, $0xA;
	v15 =	vimm.s32 $0x0;
	v13 =	vimm.s32 $0xFFFFFFFF;
	vm8 =	vgt.s32 v17, v22  }
0x120: {  	p0 =	por $0x0, $0x0;
	v16 =	vadd.s32 s0, v20;
	s0 =	simm.s32 $0x1;
	v21 =	vsub.s32 v13, v2;
	v23 =	vsel vm8, v22, v17  }
0x121: {  	_ =	sdelay $0x3  }
0x122: {  	v17 =	vld.idx.msk [tilespmem:v23+s17+$0x0], $0xffff  }
0x123: {  	v19 =	vadd.s32 s7, v16;
	vm11 =	vmneg vm0  }
0x124: {  	v24 =	vld.idx.msk [tilespmem:v23+s6+$0x0], $0xffff;
	vm7 =	vgt.s32 v21, $0x0;
	v26 =	vsub.s32 v13, v15;
	v27 =	vimm.s32 $0xFFFFFFFF  }
0x125: {  	v25 =	vimm.s32 $0x0;
	v30 =	vimm.f32 $-Inf;
	v28 =	vimm.f32 $-Inf  }
0x126: {  	v29 =	vimm.s32 $0xFFFFFFFF;
	v32 =	vimm.s32 $0xFFFFFFFF;
	v33 =	vimm.s32 $0x0  }
0x127: {  	v34 =	vimm.s32 $0x0;
	v18 =	vnsel vm7, $0x0, v21;
	v17 =	vsel vm8, $0xFFFFFFFF, v17  }
0x128: {  	v31 =	vmin.u32 v18, $0x1F;
	v18 =	vadd.s32 s0, v20;
	vm8 =	vne.s32 v17, v13  }
0x129: {  	vm13 =	vgt.f32 v24, v14;
	vm9 =	veq.s32 v17, v13;
	vm14 =	vmand vm0, vm8  }
0x12a: {  	p1 =	sne.s32 s5, $0x2;
	vm12 =	vlt.s32 v17, v3;
	vm8 =	vgt.s32 v18, v22;
	vm10 =	vmand vm0, vm14  }
.Ltmp12:
0x12b: {  	vm7 =	vmand vm0, vm9;
	vm9 =	vge.s32 v17, v2;
	v23 =	vsel vm8, v22, v18;
	(pc) =	sbr.rel @!p1 .LBB2_17-.Ltmp12, $4  }
0x12c: {  	vm9 =	vmand vm9, vm12;
	vm12 =	vmneg vm7;
	vm15 =	vmand vm7, vm13  }
0x12d: {  	vm7 =	vmor vm0, vm14;
	vm11 =	vmand vm14, vm11;
	vm2 =	vmand vm12, vm9  }
0x12e: {  	v18 =	vnsel vm9, $0xFFFFFFFF, v17;
	vm13 =	vmand vm9, vm12;
	vm12 =	vmor vm15, vm2  }
0x12f: {  	s7 =	simm.s32 $0x2;
	p0 =	por $0x1, $0x1;
	v21 =	vsub.s32 v18, v2;
	v17 =	vsel vm12, v24, v14;
	v24 =	vimm.s32 $0xFFFFFFFF  }
.LBB2_18:
0x130: {  	v24 =	vsel vm11, v27, v24;
	[tilespmem:v31+s29+$0x0] =	vst.idx.msk vm10, v26;
	v25 =	vsel vm13, v19, v25;
	v27 =	vmov v18;
	s8 =	smov.u32 s7;
	s7 =	sadd.s32 $0x1, s7  }
0x131: {  	v28 =	vsel vm11, v30, v28;
	v32 =	vsel vm11, v29, v32;
	v29 =	vsel vm12, v19, v29;
	p1 =	sne.s32 s5, s7;
	v26 =	vld.idx.msk [tilespmem:v23+s17+$0x0], $0xffff  }
0x132: {  	v34 =	vsel vm11, v33, v34;
	v30 =	vmov v17;
	v33 =	vmov v25;
	_ =	sdelay $0x1  }
0x133: {  	v35 =	vld.idx.msk [tilespmem:v23+s6+$0x0], $0xffff;
	_ =	sdelay $0x1  }
0x134: {  	v19 =	vadd.s32 s0, v16;
	vm11 =	vmneg vm7;
	s0 =	smov.u32 s8  }
0x135: {  	vm2 =	vgt.s32 v21, $0x0;
	v36 =	vsel vm8, $0xFFFFFFFF, v26;
	v26 =	vsub.s32 v29, v25  }
0x136: {  	vm8 =	vne.s32 v36, v18;
	vm10 =	veq.s32 v36, v18;
	v18 =	vnsel vm2, $0x0, v21  }
0x137: {  	vm2 =	vmand vm9, vm10;
	vm14 =	vmand vm9, vm8;
	v31 =	vmin.u32 v18, $0x1F  }
0x138: {  	v18 =	vadd.s32 s0, v20;
	vm9 =	vge.s32 v36, v2;
	vm10 =	vmand vm7, vm14  }
.Ltmp13:
0x139: {  	vm12 =	vlt.s32 v36, v3;
	vm8 =	vgt.s32 v18, v22;
	vm13 =	vgt.f32 v35, v17;
	(pc) =	sbr.rel @p1 .LBB2_18-.Ltmp13, $4  }
0x13a: {  	vm9 =	vmand vm9, vm12;
	vm12 =	vmneg vm2;
	v23 =	vsel vm8, v22, v18  }
0x13b: {  	vm2 =	vmand vm2, vm13;
	vm15 =	vmand vm12, vm9;
	v18 =	vnsel vm9, $0xFFFFFFFF, v36  }
0x13c: {  	vm7 =	vmor vm7, vm14;
	vm13 =	vmand vm9, vm12;
	vm12 =	vmor vm2, vm15  }
0x13d: {  	vm11 =	vmand vm14, vm11;
	v21 =	vsub.s32 v18, v2;
	v17 =	vsel vm12, v35, v17  }
0x13e: {  	s7 =	smov.u32 s0  }
.LBB2_20:
0x13f: {  	_ =	sdelay $0x4  }
0x140: {  	[tilespmem:v31+s29+$0x0] =	vst.idx.msk @p0 vm10, v26  }
0x141: {  	v22 =	vsel @p0 vm11, v27, v24;
	v20 =	vld.idx.msk [tilespmem:v23+s17+$0x0], $0xffff  }
0x142: {  	v24 =	vsel @p0 vm13, v19, v25;
	v25 =	vsel @p0 vm11, v30, v28;
	v26 =	vsel @p0 vm11, v29, v32;
	v23 =	vld.idx.msk [tilespmem:v23+s6+$0x0], $0xffff  }
0x143: {  	v19 =	vsel @p0 vm12, v19, v29;
	v27 =	vsel @p0 vm11, v33, v34;
	v61 =	vadd.s32 s7, v16  }
0x144: {  	vm2 =	vmneg vm7;
	v24 =	vpsel p0, v24, v15;
	v29 =	vpsel p0, v19, v13  }
0x145: {  	v22 =	vpsel p0, v22, v13;
	v62 =	vpsel p0, v26, v13;
	v63 =	vpsel p0, v27, v15  }
0x146: {  	v16 =	vsel vm8, $0xFFFFFFFF, v20;
	vm8 =	vgt.s32 v21, $0x0;
	v20 =	vsub.s32 v29, v24  }
0x147: {  	vm13 =	vgt.f32 v23, v17;
	vm10 =	vne.s32 v16, v18;
	vm11 =	veq.s32 v16, v18  }
0x148: {  	v19 =	vnsel vm8, $0x0, v21;
	vm11 =	vmand vm9, vm11;
	vm9 =	vmand vm9, vm10  }
0x149: {  	vm8 =	vge.s32 v16, v2;
	vm12 =	vlt.s32 v16, v3;
	vm10 =	vmand vm7, vm9  }
0x14a: {  	v21 =	vmin.u32 v19, $0x1F;
	vm8 =	vmand vm8, vm12;
	vm12 =	vmneg vm11  }
.Ltmp14:
0x14b: {  	vm11 =	vmand vm11, vm13;
	v16 =	vnsel vm8, $0xFFFFFFFF, v16;
	vm13 =	vmand vm12, vm8;
	(pc) =	sbr.rel .LBB2_21-.Ltmp14, $4  }
0x14c: {  	vm2 =	vmand vm9, vm2;
	vm12 =	vmand vm8, vm12;
	vm11 =	vmor vm11, vm13  }
0x14d: {  	v13 =	vsel vm2, v18, v22;
	v18 =	vsel vm2, v24, v63;
	v19 =	vsel vm11, v23, v17  }
0x14e: {  	v23 =	vpsel p0, v25, v14;
	v14 =	vsel vm12, v61, v24;
	v15 =	vsel vm11, v61, v29  }
0x14f: {  	vm7 =	vmor vm7, vm9;
	[tilespmem:v21+s29+$0x0] =	vst.idx.msk vm10, v20;
	v20 =	vsel vm2, v17, v23;
	v17 =	vsel vm2, v29, v62  }
.LBB2_15:
.Ltmp15:
0x150: {  	(pc) =	sbr.rel .LBB2_20-.Ltmp15, $4  }
0x151: {  	v24 =	vimm.s32 $0xFFFFFFFF  }
0x152: {  	v25 =	vimm.s32 $0x0;
	v18 =	vimm.s32 $0xFFFFFFFF;
	v28 =	vimm.f32 $-Inf  }
0x153: {  	v29 =	vimm.s32 $0xFFFFFFFF;
	v32 =	vimm.s32 $0xFFFFFFFF;
	v34 =	vimm.s32 $0x0  }
0x154: {  	v17 =	vimm.f32 $-Inf;
	vm7 =	vmmov vm0;
	vm9 =	vmmov vm0  }
.LBB2_17:
.Ltmp16:
0x155: {  	(pc) =	sbr.rel .LBB2_20-.Ltmp16, $4  }
0x156: {  	_ = 	snop  }
0x157: {  	v27 =	vimm.s32 $0xFFFFFFFF;
	v24 =	vimm.s32 $0xFFFFFFFF;
	v25 =	vimm.s32 $0x0  }
0x158: {  	v30 =	vimm.f32 $-Inf;
	v28 =	vimm.f32 $-Inf;
	v29 =	vimm.s32 $0xFFFFFFFF  }
0x159: {  	v32 =	vimm.s32 $0xFFFFFFFF;
	v33 =	vimm.s32 $0x0;
	v34 =	vimm.s32 $0x0;
	s7 =	simm.s32 $0x1  }
.LBB2_22:
0x15a: {  	_ =	sfence.sel $0x180000  }
0x15b: {  	[bflag:$0x0] =	sbarrier.arrive $0xFFFF  }
0x15c: {  	_ =	strace $0x90000047  }
0x15d: {  	s0 =	stileid.u32;
	[bflag:$0x2] =	sbarrier.arrive $0xFFFF  }
0x15e: {  	p0 =	sne.s32 s0, $0x0;
	s0 =	rddreg [dreg:$0x3]  }
0x15f: {  	s0 =	sadd.s32 @!p0 $0x100000, s0  }
0x160: {  	[sflag:s0] =	ssyncadd.tile.s32 @!p0 $0x1;
	_ =	shalt  }
.Lfunc_end2:
_tile_overlayer_lowered:
.L_overlay_start_2:
0x161: {  	(tag) =	ssettag $0x2  }
0x162: {  	s0 =	rddreg [dreg:$0x0];
	s2 =	stileid.u32  }
0x163: {  	s1 =	rddreg [dreg:$0x1];
	p0 =	sne.s32 s2, $0x0  }
0x164: {  	s3 =	rddreg [dreg:$0x2];
	[bflag:$0x3] =	sbarrier.arrive $0xFFFF;
	s2 =	simm.s32 @!p0 $0x1C04  }
0x165: {  	[timem:s3], [sflag:s2] =	dma.local @!p0 [hbm:s0], s1  }
0x166: {  	s0 =	simm.s32 @!p0 $0x4  }
0x167: {  	_ =	swait.ge @!p0 [sflag:s0], s1  }
0x168: {  	s1 =	ssub.s32 @!p0 $0x0, s1;
	[sflag:s0] =	ssyncset.done @!p0 $0x0  }
0x169: {  	[sflag:s0] =	ssyncadd.s32 @!p0 s1  }
0x16a: {  	[bflag:$0x3] =	sbarrier.arrive $0xFFFF  }
0x16b: {  	_ =	shalt  }

</sc_bundles>
